<compile_context>
chip_gen: v7x
topology: tpu7x:2x2x1
jax: 0.10.2.dev20260603
libtpu: 0.0.44.dev20260713+nightly
codegen_flags: <defaults>
</compile_context>

<pallas_src>
import functools

import jax
import jax.numpy as jnp
from jax import lax
from jax.experimental import pallas as pl
from jax.experimental.pallas import tpu as pltpu
from jax.experimental.pallas import tpu_sc as plsc

B, N, C = 64, 576, 768
K = 32
NUM_CLASSES = 1000
BB = 32


NS = 8
RB = B // NS


def _topk_body(r_ref, idx_ref):
    col = lax.broadcasted_iota(jnp.int32, (RB, N), 1)
    bases = [
        (lax.broadcasted_iota(jnp.int32, (1, RB), 1) + s * RB) * N
        for s in range(NS)
    ]

    def step(k, carry):
        new = []
        rows = []
        for s in range(NS):
            rc = carry[s]
            amax = jnp.argmax(rc, axis=1).astype(jnp.int32)
            rows.append(amax[None, :] + bases[s])
            new.append(jnp.where(col == amax[:, None], -jnp.inf, rc))
        idx_ref[pl.ds(k, 1), :] = jnp.concatenate(rows, axis=1)
        return tuple(new)

    lax.fori_loop(
        0, K, step,
        tuple(r_ref[pl.ds(s * RB, RB), :] for s in range(NS)),
        unroll=8)


def _dense_body(xk_ref, ww_ref, wb_ref, vw_ref, vb_ref, fcw_ref, fcb_ref,
                out_ref):
    xk = xk_ref[...]
    x2 = xk.reshape(K * BB, C)
    h = jnp.tanh(
        lax.dot_general(x2.astype(jnp.bfloat16),
                        ww_ref[...].astype(jnp.bfloat16),
                        (((1,), (1,)), ((), ())),
                        preferred_element_type=jnp.float32) + wb_ref[...])
    s = jnp.sum(h * vw_ref[...], axis=1).reshape(K, BB) + vb_ref[0, 0]
    m = jnp.max(s, axis=0, keepdims=True)
    e = jnp.exp(s - m)
    a = e / jnp.sum(e, axis=0, keepdims=True)
    z = jnp.sum(a[:, :, None] * xk, axis=0)
    out_ref[...] = lax.dot_general(
        z, fcw_ref[...], (((1,), (1,)), ((), ())),
        preferred_element_type=jnp.float32) + fcb_ref[...]


def _sc_gather(x2d, fidx):
    info = plsc.get_sparse_core_info()
    nc = info.num_cores
    nw = nc * info.num_subcores
    rows = K * B
    rpw = rows // nw
    mesh = plsc.VectorSubcoreMesh(core_axis_name="c", subcore_axis_name="s")

    @functools.partial(
        pl.kernel,
        mesh=mesh,
        out_type=jax.ShapeDtypeStruct((rows, C), jnp.float32),
        scratch_types=[
            pltpu.VMEM((rpw,), jnp.int32),
            pltpu.VMEM((rpw, C), jnp.float32),
            pltpu.SemaphoreType.DMA,
        ],
    )
    def gth(x_hbm, idx_hbm, out_hbm, idx_v, rows_v, sem):
        wid = lax.axis_index("s") * nc + lax.axis_index("c")
        base = wid * rpw
        pltpu.sync_copy(idx_hbm.at[pl.ds(base, rpw)], idx_v)
        pltpu.async_copy(x_hbm.at[idx_v], rows_v, sem).wait()
        pltpu.sync_copy(rows_v, out_hbm.at[pl.ds(base, rpw)])

    return gth(x2d, fidx)


def _topk_indices(r):
    return pl.pallas_call(
        _topk_body,
        out_shape=jax.ShapeDtypeStruct((K, B), jnp.int32),
    )(r)


def _dense(xk, pool_W_w, pool_W_b, pool_v_w, pool_v_b, fc_w, fc_b):
    return pl.pallas_call(
        _dense_body,
        grid=(B // BB,),
        in_specs=[
            pl.BlockSpec((K, BB, C), lambda i: (0, i, 0)),
            pl.BlockSpec((C, C), lambda i: (0, 0)),
            pl.BlockSpec((1, C), lambda i: (0, 0)),
            pl.BlockSpec((1, C), lambda i: (0, 0)),
            pl.BlockSpec((1, 1), lambda i: (0, 0)),
            pl.BlockSpec((NUM_CLASSES, C), lambda i: (0, 0)),
            pl.BlockSpec((1, NUM_CLASSES), lambda i: (0, 0)),
        ],
        out_specs=pl.BlockSpec((BB, NUM_CLASSES), lambda i: (i, 0)),
        out_shape=jax.ShapeDtypeStruct((B, NUM_CLASSES), jnp.float32),
    )(xk, pool_W_w, pool_W_b[None, :], pool_v_w, pool_v_b[None, :], fc_w,
      fc_b[None, :])


def kernel(x, r, pool_W_w, pool_W_b, pool_v_w, pool_v_b, fc_w, fc_b):
    fidx = _topk_indices(r)
    x2d = x.reshape(B * N, C)
    xk = _sc_gather(x2d, fidx.reshape(K * B)).reshape(K, B, C)
    return _dense(xk, pool_W_w, pool_W_b, pool_v_w, pool_v_b, fc_w, fc_b)

# --- scband reference (transcript-rebuilt; emitter-appended) ---
"""Pipeline reference for scband-reliability-top-khead-30837865185700 (READ-ONLY COPY).

The authoritative reference and input builder live on the scoring server;
editing this copy changes nothing except your own understanding.
"""

import jax, jax.numpy as jnp
import numpy as np

B, N, C = 64, 576, 768
NUM_CLASSES = 1000
TOPK = 32
POOL_HIDDEN = 768

def setup_inputs(seed: int = 0) -> dict:
    key = jax.random.key(seed)
    ks = jax.random.split(key, 8)
    x = jax.random.normal(ks[0], (B, N, C), dtype=jnp.float32)
    r = jax.random.normal(ks[1], (B, N), dtype=jnp.float32)
    s1 = 1.0 / np.sqrt(C)
    s2 = 1.0 / np.sqrt(POOL_HIDDEN)
    pool_W_w = jax.random.uniform(ks[2], (POOL_HIDDEN, C), minval=-s1, maxval=s1, dtype=jnp.float32)
    pool_W_b = jax.random.uniform(ks[3], (POOL_HIDDEN,), minval=-s1, maxval=s1, dtype=jnp.float32)
    pool_v_w = jax.random.uniform(ks[4], (1, POOL_HIDDEN), minval=-s2, maxval=s2, dtype=jnp.float32)
    pool_v_b = jax.random.uniform(ks[5], (1,), minval=-s2, maxval=s2, dtype=jnp.float32)
    fc_w = jax.random.uniform(ks[6], (NUM_CLASSES, C), minval=-s1, maxval=s1, dtype=jnp.float32)
    fc_b = jax.random.uniform(ks[7], (NUM_CLASSES,), minval=-s1, maxval=s1, dtype=jnp.float32)
    return {"x": x, "r": r, "pool_W_w": pool_W_w, "pool_W_b": pool_W_b, "pool_v_w": pool_v_w, "pool_v_b": pool_v_b, "fc_w": fc_w, "fc_b": fc_b}

def reference(x, r, pool_W_w, pool_W_b, pool_v_w, pool_v_b, fc_w, fc_b):
    K = min(TOPK, r.shape[1])
    vals, idx = jax.lax.top_k(r, K)  # [B, K]
    x_topk = jnp.take_along_axis(x, idx[:, :, None], axis=1)  # [B, K, C]
    h = jnp.tanh(jnp.einsum('bkc,hc->bkh', x_topk, pool_W_w) + pool_W_b)
    score = (jnp.einsum('bkh,oh->bko', h, pool_v_w) + pool_v_b)[..., 0]  # [B, K]
    alpha = jax.nn.softmax(score, axis=1)
    z = jnp.sum(alpha[:, :, None] * x_topk, axis=1)  # [B, C]
    logits = z @ fc_w.T + fc_b  # [B, num_classes]
    return logits

if __name__ == "__main__":
    import jax
    _d = setup_inputs()
    print(jax.jit(kernel)(*tuple(_d.values())))

</pallas_src>

<mosaic_0001>
#map = affine_map<(d0, d1) -> (0, 0)>
#map1 = affine_map<(d0, d1) -> (0)>
module attributes {stable_mosaic.version = 14 : i64} {
  func.func @gth(%arg0: i32, %arg1: i32, %arg2: memref<36864x768xf32, #tpu.memory_space<hbm>>, %arg3: memref<2048xi32, #tpu.memory_space<hbm>>, %arg4: memref<2048x768xf32, #tpu.memory_space<hbm>>, %arg5: memref<64xi32, #tpu.memory_space<vmem>>, %arg6: memref<64x768xf32, #tpu.memory_space<vmem>>, %arg7: memref<!tpu.dma_semaphore, #tpu.memory_space<semaphore_mem>>) attributes {dimension_semantics = [#tpu.dimension_semantics<core_parallel>, #tpu.dimension_semantics<subcore_parallel>], iteration_bounds = array<i64: 2, 16>, scalar_prefetch = 0 : i64, scratch_operands = 3 : i64, tpu.core_type = #tpu.core_type<sc_vector_subcore>, window_params = [{transform_indices = #map}, {transform_indices = #map1}, {transform_indices = #map}]} {
    %mul3A = arith.constant 2 : i32
    %mul3A_0 = arith.muli %arg1, %mul3A : i32
    %add3A = arith.addi %mul3A_0, %arg0 : i32
    %mul3A_1 = arith.constant 64 : i32
    %mul3A_2 = arith.muli %add3A, %mul3A_1 : i32
    "tpu.region"() ({
      %run_scoped3A = tpu.sem_alloc : memref<!tpu.dma_semaphore, #tpu.memory_space<semaphore_mem>>
      %dma_start3A_7 = tpu.memref_slice %arg3[%mul3A_2] : memref<2048xi32, #tpu.memory_space<hbm>> -> memref<64xi32, #tpu.memory_space<hbm>>
      %dma_start3A_8 = tpu.memref_slice %arg3[%mul3A_2] : memref<2048xi32, #tpu.memory_space<hbm>> -> memref<64xi32, #tpu.memory_space<hbm>>
      tpu.enqueue_dma source(%dma_start3A_8 : memref<64xi32, #tpu.memory_space<hbm>>) target(%arg5 : memref<64xi32, #tpu.memory_space<vmem>>) target_semaphore(%run_scoped3A : memref<!tpu.dma_semaphore, #tpu.memory_space<semaphore_mem>>)
      %dma_wait3A_9 = tpu.memref_slice %arg3[%mul3A_2] : memref<2048xi32, #tpu.memory_space<hbm>> -> memref<64xi32, #tpu.memory_space<hbm>>
      %dma_wait3A_10 = tpu.memref_slice %arg3[%mul3A_2] : memref<2048xi32, #tpu.memory_space<hbm>> -> memref<64xi32, #tpu.memory_space<hbm>>
      tpu.wait_dma2 semaphore(%run_scoped3A : memref<!tpu.dma_semaphore, #tpu.memory_space<semaphore_mem>>) src(%dma_wait3A_10 : memref<64xi32, #tpu.memory_space<hbm>>) dst(%arg5 : memref<64xi32, #tpu.memory_space<vmem>>)
      tpu.yield
    }) : () -> ()
    %dma_start3A = arith.constant 0 : i32
    %dma_start3A_3 = arith.constant 0 : i32
    %dma_start3A_4 = tpu.memref_slice %arg2[%dma_start3A, %dma_start3A_3] : memref<36864x768xf32, #tpu.memory_space<hbm>> -> memref<36864x768xf32, #tpu.memory_space<hbm>>
    tpu.enqueue_indirect_dma source(%dma_start3A_4 : memref<36864x768xf32, #tpu.memory_space<hbm>>) target(%arg6 : memref<64x768xf32, #tpu.memory_space<vmem>>) offsets(%arg5 : memref<64xi32, #tpu.memory_space<vmem>>) semaphore(%arg7 : memref<!tpu.dma_semaphore, #tpu.memory_space<semaphore_mem>>)
    %dma_wait3A = arith.constant 0 : i32
    %dma_wait3A_5 = arith.constant 0 : i32
    %dma_wait3A_6 = tpu.memref_slice %arg2[%dma_wait3A, %dma_wait3A_5] : memref<36864x768xf32, #tpu.memory_space<hbm>> -> memref<36864x768xf32, #tpu.memory_space<hbm>>
    tpu.wait_indirect_dma semaphore(%arg7 : memref<!tpu.dma_semaphore, #tpu.memory_space<semaphore_mem>>) src(%dma_wait3A_6 : memref<36864x768xf32, #tpu.memory_space<hbm>>) dst(%arg6 : memref<64x768xf32, #tpu.memory_space<vmem>>)
    "tpu.region"() ({
      %run_scoped3A = tpu.sem_alloc : memref<!tpu.dma_semaphore, #tpu.memory_space<semaphore_mem>>
      %dma_start3A_7 = arith.constant 0 : i32
      %dma_start3A_8 = tpu.memref_slice %arg4[%mul3A_2, %dma_start3A_7] : memref<2048x768xf32, #tpu.memory_space<hbm>> -> memref<64x768xf32, #tpu.memory_space<hbm>>
      %dma_start3A_9 = arith.constant 0 : i32
      %dma_start3A_10 = tpu.memref_slice %arg4[%mul3A_2, %dma_start3A_9] : memref<2048x768xf32, #tpu.memory_space<hbm>> -> memref<64x768xf32, #tpu.memory_space<hbm>>
      tpu.enqueue_dma source(%arg6 : memref<64x768xf32, #tpu.memory_space<vmem>>) target(%dma_start3A_10 : memref<64x768xf32, #tpu.memory_space<hbm>>) target_semaphore(%run_scoped3A : memref<!tpu.dma_semaphore, #tpu.memory_space<semaphore_mem>>)
      %dma_wait3A_11 = arith.constant 0 : i32
      %dma_wait3A_12 = tpu.memref_slice %arg4[%mul3A_2, %dma_wait3A_11] : memref<2048x768xf32, #tpu.memory_space<hbm>> -> memref<64x768xf32, #tpu.memory_space<hbm>>
      %dma_wait3A_13 = arith.constant 0 : i32
      %dma_wait3A_14 = tpu.memref_slice %arg4[%mul3A_2, %dma_wait3A_13] : memref<2048x768xf32, #tpu.memory_space<hbm>> -> memref<64x768xf32, #tpu.memory_space<hbm>>
      tpu.wait_dma2 semaphore(%run_scoped3A : memref<!tpu.dma_semaphore, #tpu.memory_space<semaphore_mem>>) src(%arg6 : memref<64x768xf32, #tpu.memory_space<vmem>>) dst(%dma_wait3A_14 : memref<64x768xf32, #tpu.memory_space<hbm>>)
      tpu.yield
    }) : () -> ()
    return
  }
}

module attributes {stable_mosaic.version = 14 : i64} {
  func.func @_dense_body(%arg0: i32, %arg1: memref<32x32x768xf32, #tpu.memory_space<vmem>>, %arg2: memref<768x768xf32, #tpu.memory_space<vmem>>, %arg3: memref<1x768xf32, #tpu.memory_space<vmem>>, %arg4: memref<1x768xf32, #tpu.memory_space<vmem>>, %arg5: memref<1x1xf32, #tpu.memory_space<vmem>>, %arg6: memref<1000x768xf32, #tpu.memory_space<vmem>>, %arg7: memref<1x1000xf32, #tpu.memory_space<vmem>>, %arg8: memref<32x1000xf32, #tpu.memory_space<vmem>>) attributes {dimension_semantics = [#tpu.dimension_semantics<arbitrary>], iteration_bounds = array<i64: 2>, scalar_prefetch = 0 : i64, scratch_operands = 0 : i64, tpu.core_type = #tpu.core_type<tc>, window_params = [{transform_indices = @transform_0, window_bounds = array<i64: 32, 32, 768>}, {pipeline_mode = #tpu.pipeline_mode<synchronous>, transform_indices = @transform_1, window_bounds = array<i64: 768, 768>}, {pipeline_mode = #tpu.pipeline_mode<synchronous>, transform_indices = @transform_2, window_bounds = array<i64: 1, 768>}, {pipeline_mode = #tpu.pipeline_mode<synchronous>, transform_indices = @transform_3, window_bounds = array<i64: 1, 768>}, {pipeline_mode = #tpu.pipeline_mode<synchronous>, transform_indices = @transform_4, window_bounds = array<i64: 1, 1>}, {pipeline_mode = #tpu.pipeline_mode<synchronous>, transform_indices = @transform_5, window_bounds = array<i64: 1000, 768>}, {pipeline_mode = #tpu.pipeline_mode<synchronous>, transform_indices = @transform_6, window_bounds = array<i64: 1, 1000>}, {transform_indices = @transform_7, window_bounds = array<i64: 32, 1000>}]} {
    %get3A = arith.constant 0 : index
    %get3A_0 = arith.constant 0 : index
    %get3A_1 = arith.constant 0 : index
    %get3A_2 = vector.load %arg1[%get3A, %get3A_0, %get3A_1] : memref<32x32x768xf32, #tpu.memory_space<vmem>>, vector<32x32x768xf32>
    %reshape3A = vector.shape_cast %get3A_2 : vector<32x32x768xf32> to vector<1024x768xf32>
    %convert_element_type3A = arith.truncf %reshape3A : vector<1024x768xf32> to vector<1024x768xbf16>
    %get3A_3 = arith.constant 0 : index
    %get3A_4 = arith.constant 0 : index
    %get3A_5 = vector.load %arg2[%get3A_3, %get3A_4] : memref<768x768xf32, #tpu.memory_space<vmem>>, vector<768x768xf32>
    %convert_element_type3A_6 = arith.truncf %get3A_5 : vector<768x768xf32> to vector<768x768xbf16>
    %dot_general3A = arith.constant dense<0.000000e+00> : vector<1024x768xf32>
    %dot_general3A_7 = tpu.matmul %convert_element_type3A, %convert_element_type3A_6, %dot_general3A {dimension_numbers = #tpu.dot_dimension_numbers<[1], [1], [0], [0], [0, 0, 1, 0], [], []>, transpose_lhs_hint = false} : vector<1024x768xbf16>, vector<768x768xbf16>, vector<1024x768xf32> -> vector<1024x768xf32>
    %get3A_8 = arith.constant 0 : index
    %get3A_9 = arith.constant 0 : index
    %get3A_10 = vector.load %arg3[%get3A_8, %get3A_9] : memref<1x768xf32, #tpu.memory_space<vmem>>, vector<1x768xf32>
    %add3A = vector.broadcast %get3A_10 : vector<1x768xf32> to vector<1024x768xf32>
    %add3A_11 = arith.addf %dot_general3A_7, %add3A : vector<1024x768xf32>
    %tanh3A = math.tanh %add3A_11 : vector<1024x768xf32>
    %get3A_12 = arith.constant 0 : index
    %get3A_13 = arith.constant 0 : index
    %get3A_14 = vector.load %arg4[%get3A_12, %get3A_13] : memref<1x768xf32, #tpu.memory_space<vmem>>, vector<1x768xf32>
    %mul3A = vector.broadcast %get3A_14 : vector<1x768xf32> to vector<1024x768xf32>
    %mul3A_15 = arith.mulf %tanh3A, %mul3A : vector<1024x768xf32>
    %reduce_sum3A = arith.constant dense<0.000000e+00> : vector<1024xf32>
    %reduce_sum3A_16 = vector.multi_reduction <add>, %mul3A_15, %reduce_sum3A [1] : vector<1024x768xf32> to vector<1024xf32>
    %reshape3A_17 = vector.shape_cast %reduce_sum3A_16 : vector<1024xf32> to vector<32x32xf32>
    %get3A_18 = arith.constant 0 : index
    %get3A_19 = arith.constant 0 : index
    %get3A_20 = vector.load %arg5[%get3A_18, %get3A_19] : memref<1x1xf32, #tpu.memory_space<vmem>>, vector<1x1xf32>
    %get3A_21 = vector.extract %get3A_20[0, 0] : f32 from vector<1x1xf32>
    %add3A_22 = vector.broadcast %get3A_21 : f32 to vector<32x32xf32>
    %add3A_23 = arith.addf %reshape3A_17, %add3A_22 : vector<32x32xf32>
    %reduce_max3A = arith.constant dense<0xFF800000> : vector<32xf32>
    %reduce_max3A_24 = vector.multi_reduction <maximumf>, %add3A_23, %reduce_max3A [0] : vector<32x32xf32> to vector<32xf32>
    %broadcast_in_dim3A = vector.shape_cast %reduce_max3A_24 : vector<32xf32> to vector<1x32xf32>
    %sub3A = vector.broadcast %broadcast_in_dim3A : vector<1x32xf32> to vector<32x32xf32>
    %sub3A_25 = arith.subf %add3A_23, %sub3A : vector<32x32xf32>
    %exp3A = math.exp %sub3A_25 : vector<32x32xf32>
    %reduce_sum3A_26 = arith.constant dense<0.000000e+00> : vector<32xf32>
    %reduce_sum3A_27 = vector.multi_reduction <add>, %exp3A, %reduce_sum3A_26 [0] : vector<32x32xf32> to vector<32xf32>
    %broadcast_in_dim3A_28 = vector.shape_cast %reduce_sum3A_27 : vector<32xf32> to vector<1x32xf32>
    %div3A = vector.broadcast %broadcast_in_dim3A_28 : vector<1x32xf32> to vector<32x32xf32>
    %div3A_29 = arith.divf %exp3A, %div3A : vector<32x32xf32>
    %broadcast_in_dim3A_30 = vector.shape_cast %div3A_29 : vector<32x32xf32> to vector<32x32x1xf32>
    %mul3A_31 = vector.broadcast %broadcast_in_dim3A_30 : vector<32x32x1xf32> to vector<32x32x768xf32>
    %mul3A_32 = arith.mulf %mul3A_31, %get3A_2 : vector<32x32x768xf32>
    %reduce_sum3A_33 = arith.constant dense<0.000000e+00> : vector<32x768xf32>
    %reduce_sum3A_34 = vector.multi_reduction <add>, %mul3A_32, %reduce_sum3A_33 [0] : vector<32x32x768xf32> to vector<32x768xf32>
    %get3A_35 = arith.constant 0 : index
    %get3A_36 = arith.constant 0 : index
    %get3A_37 = vector.load %arg6[%get3A_35, %get3A_36] : memref<1000x768xf32, #tpu.memory_space<vmem>>, vector<1000x768xf32>
    %dot_general3A_38 = arith.constant dense<0.000000e+00> : vector<32x1000xf32>
    %dot_general3A_39 = tpu.matmul %reduce_sum3A_34, %get3A_37, %dot_general3A_38 {dimension_numbers = #tpu.dot_dimension_numbers<[1], [1], [0], [0], [0, 0, 1, 0], [], []>, transpose_lhs_hint = false} : vector<32x768xf32>, vector<1000x768xf32>, vector<32x1000xf32> -> vector<32x1000xf32>
    %get3A_40 = arith.constant 0 : index
    %get3A_41 = arith.constant 0 : index
    %get3A_42 = vector.load %arg7[%get3A_40, %get3A_41] : memref<1x1000xf32, #tpu.memory_space<vmem>>, vector<1x1000xf32>
    %add3A_43 = vector.broadcast %get3A_42 : vector<1x1000xf32> to vector<32x1000xf32>
    %add3A_44 = arith.addf %dot_general3A_39, %add3A_43 : vector<32x1000xf32>
    %swap3A = arith.constant 0 : index
    %swap3A_45 = arith.constant 0 : index
    %swap3A_46 = vector.load %arg8[%swap3A, %swap3A_45] : memref<32x1000xf32, #tpu.memory_space<vmem>>, vector<32x1000xf32>
    tpu.vector_store %arg8[%swap3A, %swap3A_45], %add3A_44 {strides = array<i32>} : memref<32x1000xf32, #tpu.memory_space<vmem>>, vector<32x1000xf32>,
    return
  }
  func.func @transform_0(%arg0: i32) -> (i32, i32, i32) {
    %c0_i32 = arith.constant 0 : i32
    %c0_i32_0 = arith.constant 0 : i32
    %c0_i32_1 = arith.constant 0 : i32
    return %c0_i32, %arg0, %c0_i32_0 : i32, i32, i32
  }
  func.func @transform_1(%arg0: i32) -> (i32, i32) {
    %c0_i32 = arith.constant 0 : i32
    %c0_i32_0 = arith.constant 0 : i32
    %c0_i32_1 = arith.constant 0 : i32
    return %c0_i32, %c0_i32_0 : i32, i32
  }
  func.func @transform_2(%arg0: i32) -> (i32, i32) {
    %c0_i32 = arith.constant 0 : i32
    %c0_i32_0 = arith.constant 0 : i32
    %c0_i32_1 = arith.constant 0 : i32
    return %c0_i32, %c0_i32_0 : i32, i32
  }
  func.func @transform_3(%arg0: i32) -> (i32, i32) {
    %c0_i32 = arith.constant 0 : i32
    %c0_i32_0 = arith.constant 0 : i32
    %c0_i32_1 = arith.constant 0 : i32
    return %c0_i32, %c0_i32_0 : i32, i32
  }
  func.func @transform_4(%arg0: i32) -> (i32, i32) {
    %c0_i32 = arith.constant 0 : i32
    %c0_i32_0 = arith.constant 0 : i32
    %c0_i32_1 = arith.constant 0 : i32
    return %c0_i32, %c0_i32_0 : i32, i32
  }
  func.func @transform_5(%arg0: i32) -> (i32, i32) {
    %c0_i32 = arith.constant 0 : i32
    %c0_i32_0 = arith.constant 0 : i32
    %c0_i32_1 = arith.constant 0 : i32
    return %c0_i32, %c0_i32_0 : i32, i32
  }
  func.func @transform_6(%arg0: i32) -> (i32, i32) {
    %c0_i32 = arith.constant 0 : i32
    %c0_i32_0 = arith.constant 0 : i32
    %c0_i32_1 = arith.constant 0 : i32
    return %c0_i32, %c0_i32_0 : i32, i32
  }
  func.func @transform_7(%arg0: i32) -> (i32, i32) {
    %c0_i32 = arith.constant 0 : i32
    %c0_i32_0 = arith.constant 0 : i32
    return %arg0, %c0_i32 : i32, i32
  }
}

module attributes {stable_mosaic.version = 14 : i64} {
  func.func @_topk_body(%arg0: memref<64x576xf32, #tpu.memory_space<vmem>>, %arg1: memref<32x64xi32, #tpu.memory_space<vmem>>) attributes {dimension_semantics = [], scalar_prefetch = 0 : i64, scratch_operands = 0 : i64, tpu.core_type = #tpu.core_type<tc>} {
    %iota3A = tpu.iota {dimensions = array<i32: 1>} : vector<8x576xi32>
    %iota3A_0 = tpu.iota {dimensions = array<i32: 1>} : vector<1x8xi32>
    %add3A = arith.constant 0 : i32
    %add3A_1 = vector.broadcast %add3A : i32 to vector<1x8xi32>
    %add3A_2 = arith.addi %iota3A_0, %add3A_1 : vector<1x8xi32>
    %mul3A = arith.constant 576 : i32
    %mul3A_3 = vector.broadcast %mul3A : i32 to vector<1x8xi32>
    %mul3A_4 = arith.muli %add3A_2, %mul3A_3 : vector<1x8xi32>
    %iota3A_5 = tpu.iota {dimensions = array<i32: 1>} : vector<1x8xi32>
    %add3A_6 = arith.constant 8 : i32
    %add3A_7 = vector.broadcast %add3A_6 : i32 to vector<1x8xi32>
    %add3A_8 = arith.addi %iota3A_5, %add3A_7 : vector<1x8xi32>
    %mul3A_9 = arith.constant 576 : i32
    %mul3A_10 = vector.broadcast %mul3A_9 : i32 to vector<1x8xi32>
    %mul3A_11 = arith.muli %add3A_8, %mul3A_10 : vector<1x8xi32>
    %iota3A_12 = tpu.iota {dimensions = array<i32: 1>} : vector<1x8xi32>
    %add3A_13 = arith.constant 16 : i32
    %add3A_14 = vector.broadcast %add3A_13 : i32 to vector<1x8xi32>
    %add3A_15 = arith.addi %iota3A_12, %add3A_14 : vector<1x8xi32>
    %mul3A_16 = arith.constant 576 : i32
    %mul3A_17 = vector.broadcast %mul3A_16 : i32 to vector<1x8xi32>
    %mul3A_18 = arith.muli %add3A_15, %mul3A_17 : vector<1x8xi32>
    %iota3A_19 = tpu.iota {dimensions = array<i32: 1>} : vector<1x8xi32>
    %add3A_20 = arith.constant 24 : i32
    %add3A_21 = vector.broadcast %add3A_20 : i32 to vector<1x8xi32>
    %add3A_22 = arith.addi %iota3A_19, %add3A_21 : vector<1x8xi32>
    %mul3A_23 = arith.constant 576 : i32
    %mul3A_24 = vector.broadcast %mul3A_23 : i32 to vector<1x8xi32>
    %mul3A_25 = arith.muli %add3A_22, %mul3A_24 : vector<1x8xi32>
    %iota3A_26 = tpu.iota {dimensions = array<i32: 1>} : vector<1x8xi32>
    %add3A_27 = arith.constant 32 : i32
    %add3A_28 = vector.broadcast %add3A_27 : i32 to vector<1x8xi32>
    %add3A_29 = arith.addi %iota3A_26, %add3A_28 : vector<1x8xi32>
    %mul3A_30 = arith.constant 576 : i32
    %mul3A_31 = vector.broadcast %mul3A_30 : i32 to vector<1x8xi32>
    %mul3A_32 = arith.muli %add3A_29, %mul3A_31 : vector<1x8xi32>
    %iota3A_33 = tpu.iota {dimensions = array<i32: 1>} : vector<1x8xi32>
    %add3A_34 = arith.constant 40 : i32
    %add3A_35 = vector.broadcast %add3A_34 : i32 to vector<1x8xi32>
    %add3A_36 = arith.addi %iota3A_33, %add3A_35 : vector<1x8xi32>
    %mul3A_37 = arith.constant 576 : i32
    %mul3A_38 = vector.broadcast %mul3A_37 : i32 to vector<1x8xi32>
    %mul3A_39 = arith.muli %add3A_36, %mul3A_38 : vector<1x8xi32>
    %iota3A_40 = tpu.iota {dimensions = array<i32: 1>} : vector<1x8xi32>
    %add3A_41 = arith.constant 48 : i32
    %add3A_42 = vector.broadcast %add3A_41 : i32 to vector<1x8xi32>
    %add3A_43 = arith.addi %iota3A_40, %add3A_42 : vector<1x8xi32>
    %mul3A_44 = arith.constant 576 : i32
    %mul3A_45 = vector.broadcast %mul3A_44 : i32 to vector<1x8xi32>
    %mul3A_46 = arith.muli %add3A_43, %mul3A_45 : vector<1x8xi32>
    %iota3A_47 = tpu.iota {dimensions = array<i32: 1>} : vector<1x8xi32>
    %add3A_48 = arith.constant 56 : i32
    %add3A_49 = vector.broadcast %add3A_48 : i32 to vector<1x8xi32>
    %add3A_50 = arith.addi %iota3A_47, %add3A_49 : vector<1x8xi32>
    %mul3A_51 = arith.constant 576 : i32
    %mul3A_52 = vector.broadcast %mul3A_51 : i32 to vector<1x8xi32>
    %mul3A_53 = arith.muli %add3A_50, %mul3A_52 : vector<1x8xi32>
    %get3A = arith.constant 0 : index
    %get3A_54 = arith.constant 0 : index
    %get3A_55 = vector.load %arg0[%get3A, %get3A_54] : memref<64x576xf32, #tpu.memory_space<vmem>>, vector<8x576xf32>
    %get3A_56 = arith.constant 8 : index
    %get3A_57 = arith.constant 0 : index
    %get3A_58 = vector.load %arg0[%get3A_56, %get3A_57] : memref<64x576xf32, #tpu.memory_space<vmem>>, vector<8x576xf32>
    %get3A_59 = arith.constant 16 : index
    %get3A_60 = arith.constant 0 : index
    %get3A_61 = vector.load %arg0[%get3A_59, %get3A_60] : memref<64x576xf32, #tpu.memory_space<vmem>>, vector<8x576xf32>
    %get3A_62 = arith.constant 24 : index
    %get3A_63 = arith.constant 0 : index
    %get3A_64 = vector.load %arg0[%get3A_62, %get3A_63] : memref<64x576xf32, #tpu.memory_space<vmem>>, vector<8x576xf32>
    %get3A_65 = arith.constant 32 : index
    %get3A_66 = arith.constant 0 : index
    %get3A_67 = vector.load %arg0[%get3A_65, %get3A_66] : memref<64x576xf32, #tpu.memory_space<vmem>>, vector<8x576xf32>
    %get3A_68 = arith.constant 40 : index
    %get3A_69 = arith.constant 0 : index
    %get3A_70 = vector.load %arg0[%get3A_68, %get3A_69] : memref<64x576xf32, #tpu.memory_space<vmem>>, vector<8x576xf32>
    %get3A_71 = arith.constant 48 : index
    %get3A_72 = arith.constant 0 : index
    %get3A_73 = vector.load %arg0[%get3A_71, %get3A_72] : memref<64x576xf32, #tpu.memory_space<vmem>>, vector<8x576xf32>
    %get3A_74 = arith.constant 56 : index
    %get3A_75 = arith.constant 0 : index
    %get3A_76 = vector.load %arg0[%get3A_74, %get3A_75] : memref<64x576xf32, #tpu.memory_space<vmem>>, vector<8x576xf32>
    %scan3A = arith.constant 0 : i32
    %scan3A_77 = arith.constant 32 : i32
    %scan3A_78 = arith.addi %scan3A, %scan3A_77 : i32
    %scan3A_79 = arith.constant 8 : i32
    %scan3A_80:8 = scf.for %scan3A_82 = %scan3A to %scan3A_78 step %scan3A_79 iter_args(%scan3A_83 = %get3A_55, %scan3A_84 = %get3A_58, %scan3A_85 = %get3A_61, %scan3A_86 = %get3A_64, %scan3A_87 = %get3A_67, %scan3A_88 = %get3A_70, %scan3A_89 = %get3A_73, %scan3A_90 = %get3A_76) -> (vector<8x576xf32>, vector<8x576xf32>, vector<8x576xf32>, vector<8x576xf32>, vector<8x576xf32>, vector<8x576xf32>, vector<8x576xf32>, vector<8x576xf32>)  : i32 {
      %argmax3A = tpu.reduce_index %scan3A_83 {axis = 1 : i32, kind = #tpu.reduction_kind<arg_max>} : vector<8x576xf32> -> vector<8xi32>
      %broadcast_in_dim3A = vector.shape_cast %argmax3A : vector<8xi32> to vector<1x8xi32>
      %add3A_91 = arith.addi %broadcast_in_dim3A, %mul3A_4 : vector<1x8xi32>
      %broadcast_in_dim3A_92 = vector.shape_cast %argmax3A : vector<8xi32> to vector<8x1xi32>
      %eq3A = vector.broadcast %broadcast_in_dim3A_92 : vector<8x1xi32> to vector<8x576xi32>
      %eq3A_93 = arith.cmpi eq, %iota3A, %eq3A : vector<8x576xi32>
      %jit3A = arith.constant 0xFF800000 : f32
      %broadcast_in_dim3A_94 = vector.broadcast %jit3A : f32 to vector<8x576xf32>
      %select_n3A = arith.select %eq3A_93, %broadcast_in_dim3A_94, %scan3A_83 : vector<8x576xi1>, vector<8x576xf32>
      %argmax3A_95 = tpu.reduce_index %scan3A_84 {axis = 1 : i32, kind = #tpu.reduction_kind<arg_max>} : vector<8x576xf32> -> vector<8xi32>
      %broadcast_in_dim3A_96 = vector.shape_cast %argmax3A_95 : vector<8xi32> to vector<1x8xi32>
      %add3A_97 = arith.addi %broadcast_in_dim3A_96, %mul3A_11 : vector<1x8xi32>
      %broadcast_in_dim3A_98 = vector.shape_cast %argmax3A_95 : vector<8xi32> to vector<8x1xi32>
      %eq3A_99 = vector.broadcast %broadcast_in_dim3A_98 : vector<8x1xi32> to vector<8x576xi32>
      %eq3A_100 = arith.cmpi eq, %iota3A, %eq3A_99 : vector<8x576xi32>
      %jit3A_101 = arith.constant 0xFF800000 : f32
      %broadcast_in_dim3A_102 = vector.broadcast %jit3A_101 : f32 to vector<8x576xf32>
      %select_n3A_103 = arith.select %eq3A_100, %broadcast_in_dim3A_102, %scan3A_84 : vector<8x576xi1>, vector<8x576xf32>
      %argmax3A_104 = tpu.reduce_index %scan3A_85 {axis = 1 : i32, kind = #tpu.reduction_kind<arg_max>} : vector<8x576xf32> -> vector<8xi32>
      %broadcast_in_dim3A_105 = vector.shape_cast %argmax3A_104 : vector<8xi32> to vector<1x8xi32>
      %add3A_106 = arith.addi %broadcast_in_dim3A_105, %mul3A_18 : vector<1x8xi32>
      %broadcast_in_dim3A_107 = vector.shape_cast %argmax3A_104 : vector<8xi32> to vector<8x1xi32>
      %eq3A_108 = vector.broadcast %broadcast_in_dim3A_107 : vector<8x1xi32> to vector<8x576xi32>
      %eq3A_109 = arith.cmpi eq, %iota3A, %eq3A_108 : vector<8x576xi32>
      %jit3A_110 = arith.constant 0xFF800000 : f32
      %broadcast_in_dim3A_111 = vector.broadcast %jit3A_110 : f32 to vector<8x576xf32>
      %select_n3A_112 = arith.select %eq3A_109, %broadcast_in_dim3A_111, %scan3A_85 : vector<8x576xi1>, vector<8x576xf32>
      %argmax3A_113 = tpu.reduce_index %scan3A_86 {axis = 1 : i32, kind = #tpu.reduction_kind<arg_max>} : vector<8x576xf32> -> vector<8xi32>
      %broadcast_in_dim3A_114 = vector.shape_cast %argmax3A_113 : vector<8xi32> to vector<1x8xi32>
      %add3A_115 = arith.addi %broadcast_in_dim3A_114, %mul3A_25 : vector<1x8xi32>
      %broadcast_in_dim3A_116 = vector.shape_cast %argmax3A_113 : vector<8xi32> to vector<8x1xi32>
      %eq3A_117 = vector.broadcast %broadcast_in_dim3A_116 : vector<8x1xi32> to vector<8x576xi32>
      %eq3A_118 = arith.cmpi eq, %iota3A, %eq3A_117 : vector<8x576xi32>
      %jit3A_119 = arith.constant 0xFF800000 : f32
      %broadcast_in_dim3A_120 = vector.broadcast %jit3A_119 : f32 to vector<8x576xf32>
      %select_n3A_121 = arith.select %eq3A_118, %broadcast_in_dim3A_120, %scan3A_86 : vector<8x576xi1>, vector<8x576xf32>
      %argmax3A_122 = tpu.reduce_index %scan3A_87 {axis = 1 : i32, kind = #tpu.reduction_kind<arg_max>} : vector<8x576xf32> -> vector<8xi32>
      %broadcast_in_dim3A_123 = vector.shape_cast %argmax3A_122 : vector<8xi32> to vector<1x8xi32>
      %add3A_124 = arith.addi %broadcast_in_dim3A_123, %mul3A_32 : vector<1x8xi32>
      %broadcast_in_dim3A_125 = vector.shape_cast %argmax3A_122 : vector<8xi32> to vector<8x1xi32>
      %eq3A_126 = vector.broadcast %broadcast_in_dim3A_125 : vector<8x1xi32> to vector<8x576xi32>
      %eq3A_127 = arith.cmpi eq, %iota3A, %eq3A_126 : vector<8x576xi32>
      %jit3A_128 = arith.constant 0xFF800000 : f32
      %broadcast_in_dim3A_129 = vector.broadcast %jit3A_128 : f32 to vector<8x576xf32>
      %select_n3A_130 = arith.select %eq3A_127, %broadcast_in_dim3A_129, %scan3A_87 : vector<8x576xi1>, vector<8x576xf32>
      %argmax3A_131 = tpu.reduce_index %scan3A_88 {axis = 1 : i32, kind = #tpu.reduction_kind<arg_max>} : vector<8x576xf32> -> vector<8xi32>
      %broadcast_in_dim3A_132 = vector.shape_cast %argmax3A_131 : vector<8xi32> to vector<1x8xi32>
      %add3A_133 = arith.addi %broadcast_in_dim3A_132, %mul3A_39 : vector<1x8xi32>
      %broadcast_in_dim3A_134 = vector.shape_cast %argmax3A_131 : vector<8xi32> to vector<8x1xi32>
      %eq3A_135 = vector.broadcast %broadcast_in_dim3A_134 : vector<8x1xi32> to vector<8x576xi32>
      %eq3A_136 = arith.cmpi eq, %iota3A, %eq3A_135 : vector<8x576xi32>
      %jit3A_137 = arith.constant 0xFF800000 : f32
      %broadcast_in_dim3A_138 = vector.broadcast %jit3A_137 : f32 to vector<8x576xf32>
      %select_n3A_139 = arith.select %eq3A_136, %broadcast_in_dim3A_138, %scan3A_88 : vector<8x576xi1>, vector<8x576xf32>
      %argmax3A_140 = tpu.reduce_index %scan3A_89 {axis = 1 : i32, kind = #tpu.reduction_kind<arg_max>} : vector<8x576xf32> -> vector<8xi32>
      %broadcast_in_dim3A_141 = vector.shape_cast %argmax3A_140 : vector<8xi32> to vector<1x8xi32>
      %add3A_142 = arith.addi %broadcast_in_dim3A_141, %mul3A_46 : vector<1x8xi32>
      %broadcast_in_dim3A_143 = vector.shape_cast %argmax3A_140 : vector<8xi32> to vector<8x1xi32>
      %eq3A_144 = vector.broadcast %broadcast_in_dim3A_143 : vector<8x1xi32> to vector<8x576xi32>
      %eq3A_145 = arith.cmpi eq, %iota3A, %eq3A_144 : vector<8x576xi32>
      %jit3A_146 = arith.constant 0xFF800000 : f32
      %broadcast_in_dim3A_147 = vector.broadcast %jit3A_146 : f32 to vector<8x576xf32>
      %select_n3A_148 = arith.select %eq3A_145, %broadcast_in_dim3A_147, %scan3A_89 : vector<8x576xi1>, vector<8x576xf32>
      %argmax3A_149 = tpu.reduce_index %scan3A_90 {axis = 1 : i32, kind = #tpu.reduction_kind<arg_max>} : vector<8x576xf32> -> vector<8xi32>
      %broadcast_in_dim3A_150 = vector.shape_cast %argmax3A_149 : vector<8xi32> to vector<1x8xi32>
      %add3A_151 = arith.addi %broadcast_in_dim3A_150, %mul3A_53 : vector<1x8xi32>
      %broadcast_in_dim3A_152 = vector.shape_cast %argmax3A_149 : vector<8xi32> to vector<8x1xi32>
      %eq3A_153 = vector.broadcast %broadcast_in_dim3A_152 : vector<8x1xi32> to vector<8x576xi32>
      %eq3A_154 = arith.cmpi eq, %iota3A, %eq3A_153 : vector<8x576xi32>
      %jit3A_155 = arith.constant 0xFF800000 : f32
      %broadcast_in_dim3A_156 = vector.broadcast %jit3A_155 : f32 to vector<8x576xf32>
      %select_n3A_157 = arith.select %eq3A_154, %broadcast_in_dim3A_156, %scan3A_90 : vector<8x576xi1>, vector<8x576xf32>
      %concatenate3A = tpu.concatenate %add3A_91, %add3A_97, %add3A_106, %add3A_115, %add3A_124, %add3A_133, %add3A_142, %add3A_151 in 1 : vector<1x8xi32>, vector<1x8xi32>, vector<1x8xi32>, vector<1x8xi32>, vector<1x8xi32>, vector<1x8xi32>, vector<1x8xi32>, vector<1x8xi32> -> vector<1x64xi32>
      %swap3A = arith.index_cast %scan3A_82 : i32 to index
      %swap3A_158 = arith.constant 0 : index
      %swap3A_159 = vector.load %arg1[%swap3A, %swap3A_158] : memref<32x64xi32, #tpu.memory_space<vmem>>, vector<1x64xi32>
      tpu.vector_store %arg1[%swap3A, %swap3A_158], %concatenate3A {strides = array<i32>} : memref<32x64xi32, #tpu.memory_space<vmem>>, vector<1x64xi32>,
      %scan3A_160 = arith.constant 1 : i32
      %scan3A_161 = arith.addi %scan3A_82, %scan3A_160 : i32
      %argmax3A_162 = tpu.reduce_index %select_n3A {axis = 1 : i32, kind = #tpu.reduction_kind<arg_max>} : vector<8x576xf32> -> vector<8xi32>
      %broadcast_in_dim3A_163 = vector.shape_cast %argmax3A_162 : vector<8xi32> to vector<1x8xi32>
      %add3A_164 = arith.addi %broadcast_in_dim3A_163, %mul3A_4 : vector<1x8xi32>
      %broadcast_in_dim3A_165 = vector.shape_cast %argmax3A_162 : vector<8xi32> to vector<8x1xi32>
      %eq3A_166 = vector.broadcast %broadcast_in_dim3A_165 : vector<8x1xi32> to vector<8x576xi32>
      %eq3A_167 = arith.cmpi eq, %iota3A, %eq3A_166 : vector<8x576xi32>
      %jit3A_168 = arith.constant 0xFF800000 : f32
      %broadcast_in_dim3A_169 = vector.broadcast %jit3A_168 : f32 to vector<8x576xf32>
      %select_n3A_170 = arith.select %eq3A_167, %broadcast_in_dim3A_169, %select_n3A : vector<8x576xi1>, vector<8x576xf32>
      %argmax3A_171 = tpu.reduce_index %select_n3A_103 {axis = 1 : i32, kind = #tpu.reduction_kind<arg_max>} : vector<8x576xf32> -> vector<8xi32>
      %broadcast_in_dim3A_172 = vector.shape_cast %argmax3A_171 : vector<8xi32> to vector<1x8xi32>
      %add3A_173 = arith.addi %broadcast_in_dim3A_172, %mul3A_11 : vector<1x8xi32>
      %broadcast_in_dim3A_174 = vector.shape_cast %argmax3A_171 : vector<8xi32> to vector<8x1xi32>
      %eq3A_175 = vector.broadcast %broadcast_in_dim3A_174 : vector<8x1xi32> to vector<8x576xi32>
      %eq3A_176 = arith.cmpi eq, %iota3A, %eq3A_175 : vector<8x576xi32>
      %jit3A_177 = arith.constant 0xFF800000 : f32
      %broadcast_in_dim3A_178 = vector.broadcast %jit3A_177 : f32 to vector<8x576xf32>
      %select_n3A_179 = arith.select %eq3A_176, %broadcast_in_dim3A_178, %select_n3A_103 : vector<8x576xi1>, vector<8x576xf32>
      %argmax3A_180 = tpu.reduce_index %select_n3A_112 {axis = 1 : i32, kind = #tpu.reduction_kind<arg_max>} : vector<8x576xf32> -> vector<8xi32>
      %broadcast_in_dim3A_181 = vector.shape_cast %argmax3A_180 : vector<8xi32> to vector<1x8xi32>
      %add3A_182 = arith.addi %broadcast_in_dim3A_181, %mul3A_18 : vector<1x8xi32>
      %broadcast_in_dim3A_183 = vector.shape_cast %argmax3A_180 : vector<8xi32> to vector<8x1xi32>
      %eq3A_184 = vector.broadcast %broadcast_in_dim3A_183 : vector<8x1xi32> to vector<8x576xi32>
      %eq3A_185 = arith.cmpi eq, %iota3A, %eq3A_184 : vector<8x576xi32>
      %jit3A_186 = arith.constant 0xFF800000 : f32
      %broadcast_in_dim3A_187 = vector.broadcast %jit3A_186 : f32 to vector<8x576xf32>
      %select_n3A_188 = arith.select %eq3A_185, %broadcast_in_dim3A_187, %select_n3A_112 : vector<8x576xi1>, vector<8x576xf32>
      %argmax3A_189 = tpu.reduce_index %select_n3A_121 {axis = 1 : i32, kind = #tpu.reduction_kind<arg_max>} : vector<8x576xf32> -> vector<8xi32>
      %broadcast_in_dim3A_190 = vector.shape_cast %argmax3A_189 : vector<8xi32> to vector<1x8xi32>
      %add3A_191 = arith.addi %broadcast_in_dim3A_190, %mul3A_25 : vector<1x8xi32>
      %broadcast_in_dim3A_192 = vector.shape_cast %argmax3A_189 : vector<8xi32> to vector<8x1xi32>
      %eq3A_193 = vector.broadcast %broadcast_in_dim3A_192 : vector<8x1xi32> to vector<8x576xi32>
      %eq3A_194 = arith.cmpi eq, %iota3A, %eq3A_193 : vector<8x576xi32>
      %jit3A_195 = arith.constant 0xFF800000 : f32
      %broadcast_in_dim3A_196 = vector.broadcast %jit3A_195 : f32 to vector<8x576xf32>
      %select_n3A_197 = arith.select %eq3A_194, %broadcast_in_dim3A_196, %select_n3A_121 : vector<8x576xi1>, vector<8x576xf32>
      %argmax3A_198 = tpu.reduce_index %select_n3A_130 {axis = 1 : i32, kind = #tpu.reduction_kind<arg_max>} : vector<8x576xf32> -> vector<8xi32>
      %broadcast_in_dim3A_199 = vector.shape_cast %argmax3A_198 : vector<8xi32> to vector<1x8xi32>
      %add3A_200 = arith.addi %broadcast_in_dim3A_199, %mul3A_32 : vector<1x8xi32>
      %broadcast_in_dim3A_201 = vector.shape_cast %argmax3A_198 : vector<8xi32> to vector<8x1xi32>
      %eq3A_202 = vector.broadcast %broadcast_in_dim3A_201 : vector<8x1xi32> to vector<8x576xi32>
      %eq3A_203 = arith.cmpi eq, %iota3A, %eq3A_202 : vector<8x576xi32>
      %jit3A_204 = arith.constant 0xFF800000 : f32
      %broadcast_in_dim3A_205 = vector.broadcast %jit3A_204 : f32 to vector<8x576xf32>
      %select_n3A_206 = arith.select %eq3A_203, %broadcast_in_dim3A_205, %select_n3A_130 : vector<8x576xi1>, vector<8x576xf32>
      %argmax3A_207 = tpu.reduce_index %select_n3A_139 {axis = 1 : i32, kind = #tpu.reduction_kind<arg_max>} : vector<8x576xf32> -> vector<8xi32>
      %broadcast_in_dim3A_208 = vector.shape_cast %argmax3A_207 : vector<8xi32> to vector<1x8xi32>
      %add3A_209 = arith.addi %broadcast_in_dim3A_208, %mul3A_39 : vector<1x8xi32>
      %broadcast_in_dim3A_210 = vector.shape_cast %argmax3A_207 : vector<8xi32> to vector<8x1xi32>
      %eq3A_211 = vector.broadcast %broadcast_in_dim3A_210 : vector<8x1xi32> to vector<8x576xi32>
      %eq3A_212 = arith.cmpi eq, %iota3A, %eq3A_211 : vector<8x576xi32>
      %jit3A_213 = arith.constant 0xFF800000 : f32
      %broadcast_in_dim3A_214 = vector.broadcast %jit3A_213 : f32 to vector<8x576xf32>
      %select_n3A_215 = arith.select %eq3A_212, %broadcast_in_dim3A_214, %select_n3A_139 : vector<8x576xi1>, vector<8x576xf32>
      %argmax3A_216 = tpu.reduce_index %select_n3A_148 {axis = 1 : i32, kind = #tpu.reduction_kind<arg_max>} : vector<8x576xf32> -> vector<8xi32>
      %broadcast_in_dim3A_217 = vector.shape_cast %argmax3A_216 : vector<8xi32> to vector<1x8xi32>
      %add3A_218 = arith.addi %broadcast_in_dim3A_217, %mul3A_46 : vector<1x8xi32>
      %broadcast_in_dim3A_219 = vector.shape_cast %argmax3A_216 : vector<8xi32> to vector<8x1xi32>
      %eq3A_220 = vector.broadcast %broadcast_in_dim3A_219 : vector<8x1xi32> to vector<8x576xi32>
      %eq3A_221 = arith.cmpi eq, %iota3A, %eq3A_220 : vector<8x576xi32>
      %jit3A_222 = arith.constant 0xFF800000 : f32
      %broadcast_in_dim3A_223 = vector.broadcast %jit3A_222 : f32 to vector<8x576xf32>
      %select_n3A_224 = arith.select %eq3A_221, %broadcast_in_dim3A_223, %select_n3A_148 : vector<8x576xi1>, vector<8x576xf32>
      %argmax3A_225 = tpu.reduce_index %select_n3A_157 {axis = 1 : i32, kind = #tpu.reduction_kind<arg_max>} : vector<8x576xf32> -> vector<8xi32>
      %broadcast_in_dim3A_226 = vector.shape_cast %argmax3A_225 : vector<8xi32> to vector<1x8xi32>
      %add3A_227 = arith.addi %broadcast_in_dim3A_226, %mul3A_53 : vector<1x8xi32>
      %broadcast_in_dim3A_228 = vector.shape_cast %argmax3A_225 : vector<8xi32> to vector<8x1xi32>
      %eq3A_229 = vector.broadcast %broadcast_in_dim3A_228 : vector<8x1xi32> to vector<8x576xi32>
      %eq3A_230 = arith.cmpi eq, %iota3A, %eq3A_229 : vector<8x576xi32>
      %jit3A_231 = arith.constant 0xFF800000 : f32
      %broadcast_in_dim3A_232 = vector.broadcast %jit3A_231 : f32 to vector<8x576xf32>
      %select_n3A_233 = arith.select %eq3A_230, %broadcast_in_dim3A_232, %select_n3A_157 : vector<8x576xi1>, vector<8x576xf32>
      %concatenate3A_234 = tpu.concatenate %add3A_164, %add3A_173, %add3A_182, %add3A_191, %add3A_200, %add3A_209, %add3A_218, %add3A_227 in 1 : vector<1x8xi32>, vector<1x8xi32>, vector<1x8xi32>, vector<1x8xi32>, vector<1x8xi32>, vector<1x8xi32>, vector<1x8xi32>, vector<1x8xi32> -> vector<1x64xi32>
      %swap3A_235 = arith.index_cast %scan3A_161 : i32 to index
      %swap3A_236 = arith.constant 0 : index
      %swap3A_237 = vector.load %arg1[%swap3A_235, %swap3A_236] : memref<32x64xi32, #tpu.memory_space<vmem>>, vector<1x64xi32>
      tpu.vector_store %arg1[%swap3A_235, %swap3A_236], %concatenate3A_234 {strides = array<i32>} : memref<32x64xi32, #tpu.memory_space<vmem>>, vector<1x64xi32>,
      %scan3A_238 = arith.constant 2 : i32
      %scan3A_239 = arith.addi %scan3A_82, %scan3A_238 : i32
      %argmax3A_240 = tpu.reduce_index %select_n3A_170 {axis = 1 : i32, kind = #tpu.reduction_kind<arg_max>} : vector<8x576xf32> -> vector<8xi32>
      %broadcast_in_dim3A_241 = vector.shape_cast %argmax3A_240 : vector<8xi32> to vector<1x8xi32>
      %add3A_242 = arith.addi %broadcast_in_dim3A_241, %mul3A_4 : vector<1x8xi32>
      %broadcast_in_dim3A_243 = vector.shape_cast %argmax3A_240 : vector<8xi32> to vector<8x1xi32>
      %eq3A_244 = vector.broadcast %broadcast_in_dim3A_243 : vector<8x1xi32> to vector<8x576xi32>
      %eq3A_245 = arith.cmpi eq, %iota3A, %eq3A_244 : vector<8x576xi32>
      %jit3A_246 = arith.constant 0xFF800000 : f32
      %broadcast_in_dim3A_247 = vector.broadcast %jit3A_246 : f32 to vector<8x576xf32>
      %select_n3A_248 = arith.select %eq3A_245, %broadcast_in_dim3A_247, %select_n3A_170 : vector<8x576xi1>, vector<8x576xf32>
      %argmax3A_249 = tpu.reduce_index %select_n3A_179 {axis = 1 : i32, kind = #tpu.reduction_kind<arg_max>} : vector<8x576xf32> -> vector<8xi32>
      %broadcast_in_dim3A_250 = vector.shape_cast %argmax3A_249 : vector<8xi32> to vector<1x8xi32>
      %add3A_251 = arith.addi %broadcast_in_dim3A_250, %mul3A_11 : vector<1x8xi32>
      %broadcast_in_dim3A_252 = vector.shape_cast %argmax3A_249 : vector<8xi32> to vector<8x1xi32>
      %eq3A_253 = vector.broadcast %broadcast_in_dim3A_252 : vector<8x1xi32> to vector<8x576xi32>
      %eq3A_254 = arith.cmpi eq, %iota3A, %eq3A_253 : vector<8x576xi32>
      %jit3A_255 = arith.constant 0xFF800000 : f32
      %broadcast_in_dim3A_256 = vector.broadcast %jit3A_255 : f32 to vector<8x576xf32>
      %select_n3A_257 = arith.select %eq3A_254, %broadcast_in_dim3A_256, %select_n3A_179 : vector<8x576xi1>, vector<8x576xf32>
      %argmax3A_258 = tpu.reduce_index %select_n3A_188 {axis = 1 : i32, kind = #tpu.reduction_kind<arg_max>} : vector<8x576xf32> -> vector<8xi32>
      %broadcast_in_dim3A_259 = vector.shape_cast %argmax3A_258 : vector<8xi32> to vector<1x8xi32>
      %add3A_260 = arith.addi %broadcast_in_dim3A_259, %mul3A_18 : vector<1x8xi32>
      %broadcast_in_dim3A_261 = vector.shape_cast %argmax3A_258 : vector<8xi32> to vector<8x1xi32>
      %eq3A_262 = vector.broadcast %broadcast_in_dim3A_261 : vector<8x1xi32> to vector<8x576xi32>
      %eq3A_263 = arith.cmpi eq, %iota3A, %eq3A_262 : vector<8x576xi32>
      %jit3A_264 = arith.constant 0xFF800000 : f32
      %broadcast_in_dim3A_265 = vector.broadcast %jit3A_264 : f32 to vector<8x576xf32>
      %select_n3A_266 = arith.select %eq3A_263, %broadcast_in_dim3A_265, %select_n3A_188 : vector<8x576xi1>, vector<8x576xf32>
      %argmax3A_267 = tpu.reduce_index %select_n3A_197 {axis = 1 : i32, kind = #tpu.reduction_kind<arg_max>} : vector<8x576xf32> -> vector<8xi32>
      %broadcast_in_dim3A_268 = vector.shape_cast %argmax3A_267 : vector<8xi32> to vector<1x8xi32>
      %add3A_269 = arith.addi %broadcast_in_dim3A_268, %mul3A_25 : vector<1x8xi32>
      %broadcast_in_dim3A_270 = vector.shape_cast %argmax3A_267 : vector<8xi32> to vector<8x1xi32>
      %eq3A_271 = vector.broadcast %broadcast_in_dim3A_270 : vector<8x1xi32> to vector<8x576xi32>
      %eq3A_272 = arith.cmpi eq, %iota3A, %eq3A_271 : vector<8x576xi32>
      %jit3A_273 = arith.constant 0xFF800000 : f32
      %broadcast_in_dim3A_274 = vector.broadcast %jit3A_273 : f32 to vector<8x576xf32>
      %select_n3A_275 = arith.select %eq3A_272, %broadcast_in_dim3A_274, %select_n3A_197 : vector<8x576xi1>, vector<8x576xf32>
      %argmax3A_276 = tpu.reduce_index %select_n3A_206 {axis = 1 : i32, kind = #tpu.reduction_kind<arg_max>} : vector<8x576xf32> -> vector<8xi32>
      %broadcast_in_dim3A_277 = vector.shape_cast %argmax3A_276 : vector<8xi32> to vector<1x8xi32>
      %add3A_278 = arith.addi %broadcast_in_dim3A_277, %mul3A_32 : vector<1x8xi32>
      %broadcast_in_dim3A_279 = vector.shape_cast %argmax3A_276 : vector<8xi32> to vector<8x1xi32>
      %eq3A_280 = vector.broadcast %broadcast_in_dim3A_279 : vector<8x1xi32> to vector<8x576xi32>
      %eq3A_281 = arith.cmpi eq, %iota3A, %eq3A_280 : vector<8x576xi32>
      %jit3A_282 = arith.constant 0xFF800000 : f32
      %broadcast_in_dim3A_283 = vector.broadcast %jit3A_282 : f32 to vector<8x576xf32>
      %select_n3A_284 = arith.select %eq3A_281, %broadcast_in_dim3A_283, %select_n3A_206 : vector<8x576xi1>, vector<8x576xf32>
      %argmax3A_285 = tpu.reduce_index %select_n3A_215 {axis = 1 : i32, kind = #tpu.reduction_kind<arg_max>} : vector<8x576xf32> -> vector<8xi32>
      %broadcast_in_dim3A_286 = vector.shape_cast %argmax3A_285 : vector<8xi32> to vector<1x8xi32>
      %add3A_287 = arith.addi %broadcast_in_dim3A_286, %mul3A_39 : vector<1x8xi32>
      %broadcast_in_dim3A_288 = vector.shape_cast %argmax3A_285 : vector<8xi32> to vector<8x1xi32>
      %eq3A_289 = vector.broadcast %broadcast_in_dim3A_288 : vector<8x1xi32> to vector<8x576xi32>
      %eq3A_290 = arith.cmpi eq, %iota3A, %eq3A_289 : vector<8x576xi32>
      %jit3A_291 = arith.constant 0xFF800000 : f32
      %broadcast_in_dim3A_292 = vector.broadcast %jit3A_291 : f32 to vector<8x576xf32>
      %select_n3A_293 = arith.select %eq3A_290, %broadcast_in_dim3A_292, %select_n3A_215 : vector<8x576xi1>, vector<8x576xf32>
      %argmax3A_294 = tpu.reduce_index %select_n3A_224 {axis = 1 : i32, kind = #tpu.reduction_kind<arg_max>} : vector<8x576xf32> -> vector<8xi32>
      %broadcast_in_dim3A_295 = vector.shape_cast %argmax3A_294 : vector<8xi32> to vector<1x8xi32>
      %add3A_296 = arith.addi %broadcast_in_dim3A_295, %mul3A_46 : vector<1x8xi32>
      %broadcast_in_dim3A_297 = vector.shape_cast %argmax3A_294 : vector<8xi32> to vector<8x1xi32>
      %eq3A_298 = vector.broadcast %broadcast_in_dim3A_297 : vector<8x1xi32> to vector<8x576xi32>
      %eq3A_299 = arith.cmpi eq, %iota3A, %eq3A_298 : vector<8x576xi32>
      %jit3A_300 = arith.constant 0xFF800000 : f32
      %broadcast_in_dim3A_301 = vector.broadcast %jit3A_300 : f32 to vector<8x576xf32>
      %select_n3A_302 = arith.select %eq3A_299, %broadcast_in_dim3A_301, %select_n3A_224 : vector<8x576xi1>, vector<8x576xf32>
      %argmax3A_303 = tpu.reduce_index %select_n3A_233 {axis = 1 : i32, kind = #tpu.reduction_kind<arg_max>} : vector<8x576xf32> -> vector<8xi32>
      %broadcast_in_dim3A_304 = vector.shape_cast %argmax3A_303 : vector<8xi32> to vector<1x8xi32>
      %add3A_305 = arith.addi %broadcast_in_dim3A_304, %mul3A_53 : vector<1x8xi32>
      %broadcast_in_dim3A_306 = vector.shape_cast %argmax3A_303 : vector<8xi32> to vector<8x1xi32>
      %eq3A_307 = vector.broadcast %broadcast_in_dim3A_306 : vector<8x1xi32> to vector<8x576xi32>
      %eq3A_308 = arith.cmpi eq, %iota3A, %eq3A_307 : vector<8x576xi32>
      %jit3A_309 = arith.constant 0xFF800000 : f32
      %broadcast_in_dim3A_310 = vector.broadcast %jit3A_309 : f32 to vector<8x576xf32>
      %select_n3A_311 = arith.select %eq3A_308, %broadcast_in_dim3A_310, %select_n3A_233 : vector<8x576xi1>, vector<8x576xf32>
      %concatenate3A_312 = tpu.concatenate %add3A_242, %add3A_251, %add3A_260, %add3A_269, %add3A_278, %add3A_287, %add3A_296, %add3A_305 in 1 : vector<1x8xi32>, vector<1x8xi32>, vector<1x8xi32>, vector<1x8xi32>, vector<1x8xi32>, vector<1x8xi32>, vector<1x8xi32>, vector<1x8xi32> -> vector<1x64xi32>
      %swap3A_313 = arith.index_cast %scan3A_239 : i32 to index
      %swap3A_314 = arith.constant 0 : index
      %swap3A_315 = vector.load %arg1[%swap3A_313, %swap3A_314] : memref<32x64xi32, #tpu.memory_space<vmem>>, vector<1x64xi32>
      tpu.vector_store %arg1[%swap3A_313, %swap3A_314], %concatenate3A_312 {strides = array<i32>} : memref<32x64xi32, #tpu.memory_space<vmem>>, vector<1x64xi32>,
      %scan3A_316 = arith.constant 3 : i32
      %scan3A_317 = arith.addi %scan3A_82, %scan3A_316 : i32
      %argmax3A_318 = tpu.reduce_index %select_n3A_248 {axis = 1 : i32, kind = #tpu.reduction_kind<arg_max>} : vector<8x576xf32> -> vector<8xi32>
      %broadcast_in_dim3A_319 = vector.shape_cast %argmax3A_318 : vector<8xi32> to vector<1x8xi32>
      %add3A_320 = arith.addi %broadcast_in_dim3A_319, %mul3A_4 : vector<1x8xi32>
      %broadcast_in_dim3A_321 = vector.shape_cast %argmax3A_318 : vector<8xi32> to vector<8x1xi32>
      %eq3A_322 = vector.broadcast %broadcast_in_dim3A_321 : vector<8x1xi32> to vector<8x576xi32>
      %eq3A_323 = arith.cmpi eq, %iota3A, %eq3A_322 : vector<8x576xi32>
      %jit3A_324 = arith.constant 0xFF800000 : f32
      %broadcast_in_dim3A_325 = vector.broadcast %jit3A_324 : f32 to vector<8x576xf32>
      %select_n3A_326 = arith.select %eq3A_323, %broadcast_in_dim3A_325, %select_n3A_248 : vector<8x576xi1>, vector<8x576xf32>
      %argmax3A_327 = tpu.reduce_index %select_n3A_257 {axis = 1 : i32, kind = #tpu.reduction_kind<arg_max>} : vector<8x576xf32> -> vector<8xi32>
      %broadcast_in_dim3A_328 = vector.shape_cast %argmax3A_327 : vector<8xi32> to vector<1x8xi32>
      %add3A_329 = arith.addi %broadcast_in_dim3A_328, %mul3A_11 : vector<1x8xi32>
      %broadcast_in_dim3A_330 = vector.shape_cast %argmax3A_327 : vector<8xi32> to vector<8x1xi32>
      %eq3A_331 = vector.broadcast %broadcast_in_dim3A_330 : vector<8x1xi32> to vector<8x576xi32>
      %eq3A_332 = arith.cmpi eq, %iota3A, %eq3A_331 : vector<8x576xi32>
      %jit3A_333 = arith.constant 0xFF800000 : f32
      %broadcast_in_dim3A_334 = vector.broadcast %jit3A_333 : f32 to vector<8x576xf32>
      %select_n3A_335 = arith.select %eq3A_332, %broadcast_in_dim3A_334, %select_n3A_257 : vector<8x576xi1>, vector<8x576xf32>
      %argmax3A_336 = tpu.reduce_index %select_n3A_266 {axis = 1 : i32, kind = #tpu.reduction_kind<arg_max>} : vector<8x576xf32> -> vector<8xi32>
      %broadcast_in_dim3A_337 = vector.shape_cast %argmax3A_336 : vector<8xi32> to vector<1x8xi32>
      %add3A_338 = arith.addi %broadcast_in_dim3A_337, %mul3A_18 : vector<1x8xi32>
      %broadcast_in_dim3A_339 = vector.shape_cast %argmax3A_336 : vector<8xi32> to vector<8x1xi32>
      %eq3A_340 = vector.broadcast %broadcast_in_dim3A_339 : vector<8x1xi32> to vector<8x576xi32>
      %eq3A_341 = arith.cmpi eq, %iota3A, %eq3A_340 : vector<8x576xi32>
      %jit3A_342 = arith.constant 0xFF800000 : f32
      %broadcast_in_dim3A_343 = vector.broadcast %jit3A_342 : f32 to vector<8x576xf32>
      %select_n3A_344 = arith.select %eq3A_341, %broadcast_in_dim3A_343, %select_n3A_266 : vector<8x576xi1>, vector<8x576xf32>
      %argmax3A_345 = tpu.reduce_index %select_n3A_275 {axis = 1 : i32, kind = #tpu.reduction_kind<arg_max>} : vector<8x576xf32> -> vector<8xi32>
      %broadcast_in_dim3A_346 = vector.shape_cast %argmax3A_345 : vector<8xi32> to vector<1x8xi32>
      %add3A_347 = arith.addi %broadcast_in_dim3A_346, %mul3A_25 : vector<1x8xi32>
      %broadcast_in_dim3A_348 = vector.shape_cast %argmax3A_345 : vector<8xi32> to vector<8x1xi32>
      %eq3A_349 = vector.broadcast %broadcast_in_dim3A_348 : vector<8x1xi32> to vector<8x576xi32>
      %eq3A_350 = arith.cmpi eq, %iota3A, %eq3A_349 : vector<8x576xi32>
      %jit3A_351 = arith.constant 0xFF800000 : f32
      %broadcast_in_dim3A_352 = vector.broadcast %jit3A_351 : f32 to vector<8x576xf32>
      %select_n3A_353 = arith.select %eq3A_350, %broadcast_in_dim3A_352, %select_n3A_275 : vector<8x576xi1>, vector<8x576xf32>
      %argmax3A_354 = tpu.reduce_index %select_n3A_284 {axis = 1 : i32, kind = #tpu.reduction_kind<arg_max>} : vector<8x576xf32> -> vector<8xi32>
      %broadcast_in_dim3A_355 = vector.shape_cast %argmax3A_354 : vector<8xi32> to vector<1x8xi32>
      %add3A_356 = arith.addi %broadcast_in_dim3A_355, %mul3A_32 : vector<1x8xi32>
      %broadcast_in_dim3A_357 = vector.shape_cast %argmax3A_354 : vector<8xi32> to vector<8x1xi32>
      %eq3A_358 = vector.broadcast %broadcast_in_dim3A_357 : vector<8x1xi32> to vector<8x576xi32>
      %eq3A_359 = arith.cmpi eq, %iota3A, %eq3A_358 : vector<8x576xi32>
      %jit3A_360 = arith.constant 0xFF800000 : f32
      %broadcast_in_dim3A_361 = vector.broadcast %jit3A_360 : f32 to vector<8x576xf32>
      %select_n3A_362 = arith.select %eq3A_359, %broadcast_in_dim3A_361, %select_n3A_284 : vector<8x576xi1>, vector<8x576xf32>
      %argmax3A_363 = tpu.reduce_index %select_n3A_293 {axis = 1 : i32, kind = #tpu.reduction_kind<arg_max>} : vector<8x576xf32> -> vector<8xi32>
      %broadcast_in_dim3A_364 = vector.shape_cast %argmax3A_363 : vector<8xi32> to vector<1x8xi32>
      %add3A_365 = arith.addi %broadcast_in_dim3A_364, %mul3A_39 : vector<1x8xi32>
      %broadcast_in_dim3A_366 = vector.shape_cast %argmax3A_363 : vector<8xi32> to vector<8x1xi32>
      %eq3A_367 = vector.broadcast %broadcast_in_dim3A_366 : vector<8x1xi32> to vector<8x576xi32>
      %eq3A_368 = arith.cmpi eq, %iota3A, %eq3A_367 : vector<8x576xi32>
      %jit3A_369 = arith.constant 0xFF800000 : f32
      %broadcast_in_dim3A_370 = vector.broadcast %jit3A_369 : f32 to vector<8x576xf32>
      %select_n3A_371 = arith.select %eq3A_368, %broadcast_in_dim3A_370, %select_n3A_293 : vector<8x576xi1>, vector<8x576xf32>
      %argmax3A_372 = tpu.reduce_index %select_n3A_302 {axis = 1 : i32, kind = #tpu.reduction_kind<arg_max>} : vector<8x576xf32> -> vector<8xi32>
      %broadcast_in_dim3A_373 = vector.shape_cast %argmax3A_372 : vector<8xi32> to vector<1x8xi32>
      %add3A_374 = arith.addi %broadcast_in_dim3A_373, %mul3A_46 : vector<1x8xi32>
      %broadcast_in_dim3A_375 = vector.shape_cast %argmax3A_372 : vector<8xi32> to vector<8x1xi32>
      %eq3A_376 = vector.broadcast %broadcast_in_dim3A_375 : vector<8x1xi32> to vector<8x576xi32>
      %eq3A_377 = arith.cmpi eq, %iota3A, %eq3A_376 : vector<8x576xi32>
      %jit3A_378 = arith.constant 0xFF800000 : f32
      %broadcast_in_dim3A_379 = vector.broadcast %jit3A_378 : f32 to vector<8x576xf32>
      %select_n3A_380 = arith.select %eq3A_377, %broadcast_in_dim3A_379, %select_n3A_302 : vector<8x576xi1>, vector<8x576xf32>
      %argmax3A_381 = tpu.reduce_index %select_n3A_311 {axis = 1 : i32, kind = #tpu.reduction_kind<arg_max>} : vector<8x576xf32> -> vector<8xi32>
      %broadcast_in_dim3A_382 = vector.shape_cast %argmax3A_381 : vector<8xi32> to vector<1x8xi32>
      %add3A_383 = arith.addi %broadcast_in_dim3A_382, %mul3A_53 : vector<1x8xi32>
      %broadcast_in_dim3A_384 = vector.shape_cast %argmax3A_381 : vector<8xi32> to vector<8x1xi32>
      %eq3A_385 = vector.broadcast %broadcast_in_dim3A_384 : vector<8x1xi32> to vector<8x576xi32>
      %eq3A_386 = arith.cmpi eq, %iota3A, %eq3A_385 : vector<8x576xi32>
      %jit3A_387 = arith.constant 0xFF800000 : f32
      %broadcast_in_dim3A_388 = vector.broadcast %jit3A_387 : f32 to vector<8x576xf32>
      %select_n3A_389 = arith.select %eq3A_386, %broadcast_in_dim3A_388, %select_n3A_311 : vector<8x576xi1>, vector<8x576xf32>
      %concatenate3A_390 = tpu.concatenate %add3A_320, %add3A_329, %add3A_338, %add3A_347, %add3A_356, %add3A_365, %add3A_374, %add3A_383 in 1 : vector<1x8xi32>, vector<1x8xi32>, vector<1x8xi32>, vector<1x8xi32>, vector<1x8xi32>, vector<1x8xi32>, vector<1x8xi32>, vector<1x8xi32> -> vector<1x64xi32>
      %swap3A_391 = arith.index_cast %scan3A_317 : i32 to index
      %swap3A_392 = arith.constant 0 : index
      %swap3A_393 = vector.load %arg1[%swap3A_391, %swap3A_392] : memref<32x64xi32, #tpu.memory_space<vmem>>, vector<1x64xi32>
      tpu.vector_store %arg1[%swap3A_391, %swap3A_392], %concatenate3A_390 {strides = array<i32>} : memref<32x64xi32, #tpu.memory_space<vmem>>, vector<1x64xi32>,
      %scan3A_394 = arith.constant 4 : i32
      %scan3A_395 = arith.addi %scan3A_82, %scan3A_394 : i32
      %argmax3A_396 = tpu.reduce_index %select_n3A_326 {axis = 1 : i32, kind = #tpu.reduction_kind<arg_max>} : vector<8x576xf32> -> vector<8xi32>
      %broadcast_in_dim3A_397 = vector.shape_cast %argmax3A_396 : vector<8xi32> to vector<1x8xi32>
      %add3A_398 = arith.addi %broadcast_in_dim3A_397, %mul3A_4 : vector<1x8xi32>
      %broadcast_in_dim3A_399 = vector.shape_cast %argmax3A_396 : vector<8xi32> to vector<8x1xi32>
      %eq3A_400 = vector.broadcast %broadcast_in_dim3A_399 : vector<8x1xi32> to vector<8x576xi32>
      %eq3A_401 = arith.cmpi eq, %iota3A, %eq3A_400 : vector<8x576xi32>
      %jit3A_402 = arith.constant 0xFF800000 : f32
      %broadcast_in_dim3A_403 = vector.broadcast %jit3A_402 : f32 to vector<8x576xf32>
      %select_n3A_404 = arith.select %eq3A_401, %broadcast_in_dim3A_403, %select_n3A_326 : vector<8x576xi1>, vector<8x576xf32>
      %argmax3A_405 = tpu.reduce_index %select_n3A_335 {axis = 1 : i32, kind = #tpu.reduction_kind<arg_max>} : vector<8x576xf32> -> vector<8xi32>
      %broadcast_in_dim3A_406 = vector.shape_cast %argmax3A_405 : vector<8xi32> to vector<1x8xi32>
      %add3A_407 = arith.addi %broadcast_in_dim3A_406, %mul3A_11 : vector<1x8xi32>
      %broadcast_in_dim3A_408 = vector.shape_cast %argmax3A_405 : vector<8xi32> to vector<8x1xi32>
      %eq3A_409 = vector.broadcast %broadcast_in_dim3A_408 : vector<8x1xi32> to vector<8x576xi32>
      %eq3A_410 = arith.cmpi eq, %iota3A, %eq3A_409 : vector<8x576xi32>
      %jit3A_411 = arith.constant 0xFF800000 : f32
      %broadcast_in_dim3A_412 = vector.broadcast %jit3A_411 : f32 to vector<8x576xf32>
      %select_n3A_413 = arith.select %eq3A_410, %broadcast_in_dim3A_412, %select_n3A_335 : vector<8x576xi1>, vector<8x576xf32>
      %argmax3A_414 = tpu.reduce_index %select_n3A_344 {axis = 1 : i32, kind = #tpu.reduction_kind<arg_max>} : vector<8x576xf32> -> vector<8xi32>
      %broadcast_in_dim3A_415 = vector.shape_cast %argmax3A_414 : vector<8xi32> to vector<1x8xi32>
      %add3A_416 = arith.addi %broadcast_in_dim3A_415, %mul3A_18 : vector<1x8xi32>
      %broadcast_in_dim3A_417 = vector.shape_cast %argmax3A_414 : vector<8xi32> to vector<8x1xi32>
      %eq3A_418 = vector.broadcast %broadcast_in_dim3A_417 : vector<8x1xi32> to vector<8x576xi32>
      %eq3A_419 = arith.cmpi eq, %iota3A, %eq3A_418 : vector<8x576xi32>
      %jit3A_420 = arith.constant 0xFF800000 : f32
      %broadcast_in_dim3A_421 = vector.broadcast %jit3A_420 : f32 to vector<8x576xf32>
      %select_n3A_422 = arith.select %eq3A_419, %broadcast_in_dim3A_421, %select_n3A_344 : vector<8x576xi1>, vector<8x576xf32>
      %argmax3A_423 = tpu.reduce_index %select_n3A_353 {axis = 1 : i32, kind = #tpu.reduction_kind<arg_max>} : vector<8x576xf32> -> vector<8xi32>
      %broadcast_in_dim3A_424 = vector.shape_cast %argmax3A_423 : vector<8xi32> to vector<1x8xi32>
      %add3A_425 = arith.addi %broadcast_in_dim3A_424, %mul3A_25 : vector<1x8xi32>
      %broadcast_in_dim3A_426 = vector.shape_cast %argmax3A_423 : vector<8xi32> to vector<8x1xi32>
      %eq3A_427 = vector.broadcast %broadcast_in_dim3A_426 : vector<8x1xi32> to vector<8x576xi32>
      %eq3A_428 = arith.cmpi eq, %iota3A, %eq3A_427 : vector<8x576xi32>
      %jit3A_429 = arith.constant 0xFF800000 : f32
      %broadcast_in_dim3A_430 = vector.broadcast %jit3A_429 : f32 to vector<8x576xf32>
      %select_n3A_431 = arith.select %eq3A_428, %broadcast_in_dim3A_430, %select_n3A_353 : vector<8x576xi1>, vector<8x576xf32>
      %argmax3A_432 = tpu.reduce_index %select_n3A_362 {axis = 1 : i32, kind = #tpu.reduction_kind<arg_max>} : vector<8x576xf32> -> vector<8xi32>
      %broadcast_in_dim3A_433 = vector.shape_cast %argmax3A_432 : vector<8xi32> to vector<1x8xi32>
      %add3A_434 = arith.addi %broadcast_in_dim3A_433, %mul3A_32 : vector<1x8xi32>
      %broadcast_in_dim3A_435 = vector.shape_cast %argmax3A_432 : vector<8xi32> to vector<8x1xi32>
      %eq3A_436 = vector.broadcast %broadcast_in_dim3A_435 : vector<8x1xi32> to vector<8x576xi32>
      %eq3A_437 = arith.cmpi eq, %iota3A, %eq3A_436 : vector<8x576xi32>
      %jit3A_438 = arith.constant 0xFF800000 : f32
      %broadcast_in_dim3A_439 = vector.broadcast %jit3A_438 : f32 to vector<8x576xf32>
      %select_n3A_440 = arith.select %eq3A_437, %broadcast_in_dim3A_439, %select_n3A_362 : vector<8x576xi1>, vector<8x576xf32>
      %argmax3A_441 = tpu.reduce_index %select_n3A_371 {axis = 1 : i32, kind = #tpu.reduction_kind<arg_max>} : vector<8x576xf32> -> vector<8xi32>
      %broadcast_in_dim3A_442 = vector.shape_cast %argmax3A_441 : vector<8xi32> to vector<1x8xi32>
      %add3A_443 = arith.addi %broadcast_in_dim3A_442, %mul3A_39 : vector<1x8xi32>
      %broadcast_in_dim3A_444 = vector.shape_cast %argmax3A_441 : vector<8xi32> to vector<8x1xi32>
      %eq3A_445 = vector.broadcast %broadcast_in_dim3A_444 : vector<8x1xi32> to vector<8x576xi32>
      %eq3A_446 = arith.cmpi eq, %iota3A, %eq3A_445 : vector<8x576xi32>
      %jit3A_447 = arith.constant 0xFF800000 : f32
      %broadcast_in_dim3A_448 = vector.broadcast %jit3A_447 : f32 to vector<8x576xf32>
      %select_n3A_449 = arith.select %eq3A_446, %broadcast_in_dim3A_448, %select_n3A_371 : vector<8x576xi1>, vector<8x576xf32>
      %argmax3A_450 = tpu.reduce_index %select_n3A_380 {axis = 1 : i32, kind = #tpu.reduction_kind<arg_max>} : vector<8x576xf32> -> vector<8xi32>
      %broadcast_in_dim3A_451 = vector.shape_cast %argmax3A_450 : vector<8xi32> to vector<1x8xi32>
      %add3A_452 = arith.addi %broadcast_in_dim3A_451, %mul3A_46 : vector<1x8xi32>
      %broadcast_in_dim3A_453 = vector.shape_cast %argmax3A_450 : vector<8xi32> to vector<8x1xi32>
      %eq3A_454 = vector.broadcast %broadcast_in_dim3A_453 : vector<8x1xi32> to vector<8x576xi32>
      %eq3A_455 = arith.cmpi eq, %iota3A, %eq3A_454 : vector<8x576xi32>
      %jit3A_456 = arith.constant 0xFF800000 : f32
      %broadcast_in_dim3A_457 = vector.broadcast %jit3A_456 : f32 to vector<8x576xf32>
      %select_n3A_458 = arith.select %eq3A_455, %broadcast_in_dim3A_457, %select_n3A_380 : vector<8x576xi1>, vector<8x576xf32>
      %argmax3A_459 = tpu.reduce_index %select_n3A_389 {axis = 1 : i32, kind = #tpu.reduction_kind<arg_max>} : vector<8x576xf32> -> vector<8xi32>
      %broadcast_in_dim3A_460 = vector.shape_cast %argmax3A_459 : vector<8xi32> to vector<1x8xi32>
      %add3A_461 = arith.addi %broadcast_in_dim3A_460, %mul3A_53 : vector<1x8xi32>
      %broadcast_in_dim3A_462 = vector.shape_cast %argmax3A_459 : vector<8xi32> to vector<8x1xi32>
      %eq3A_463 = vector.broadcast %broadcast_in_dim3A_462 : vector<8x1xi32> to vector<8x576xi32>
      %eq3A_464 = arith.cmpi eq, %iota3A, %eq3A_463 : vector<8x576xi32>
      %jit3A_465 = arith.constant 0xFF800000 : f32
      %broadcast_in_dim3A_466 = vector.broadcast %jit3A_465 : f32 to vector<8x576xf32>
      %select_n3A_467 = arith.select %eq3A_464, %broadcast_in_dim3A_466, %select_n3A_389 : vector<8x576xi1>, vector<8x576xf32>
      %concatenate3A_468 = tpu.concatenate %add3A_398, %add3A_407, %add3A_416, %add3A_425, %add3A_434, %add3A_443, %add3A_452, %add3A_461 in 1 : vector<1x8xi32>, vector<1x8xi32>, vector<1x8xi32>, vector<1x8xi32>, vector<1x8xi32>, vector<1x8xi32>, vector<1x8xi32>, vector<1x8xi32> -> vector<1x64xi32>
      %swap3A_469 = arith.index_cast %scan3A_395 : i32 to index
      %swap3A_470 = arith.constant 0 : index
      %swap3A_471 = vector.load %arg1[%swap3A_469, %swap3A_470] : memref<32x64xi32, #tpu.memory_space<vmem>>, vector<1x64xi32>
      tpu.vector_store %arg1[%swap3A_469, %swap3A_470], %concatenate3A_468 {strides = array<i32>} : memref<32x64xi32, #tpu.memory_space<vmem>>, vector<1x64xi32>,
      %scan3A_472 = arith.constant 5 : i32
      %scan3A_473 = arith.addi %scan3A_82, %scan3A_472 : i32
      %argmax3A_474 = tpu.reduce_index %select_n3A_404 {axis = 1 : i32, kind = #tpu.reduction_kind<arg_max>} : vector<8x576xf32> -> vector<8xi32>
      %broadcast_in_dim3A_475 = vector.shape_cast %argmax3A_474 : vector<8xi32> to vector<1x8xi32>
      %add3A_476 = arith.addi %broadcast_in_dim3A_475, %mul3A_4 : vector<1x8xi32>
      %broadcast_in_dim3A_477 = vector.shape_cast %argmax3A_474 : vector<8xi32> to vector<8x1xi32>
      %eq3A_478 = vector.broadcast %broadcast_in_dim3A_477 : vector<8x1xi32> to vector<8x576xi32>
      %eq3A_479 = arith.cmpi eq, %iota3A, %eq3A_478 : vector<8x576xi32>
      %jit3A_480 = arith.constant 0xFF800000 : f32
      %broadcast_in_dim3A_481 = vector.broadcast %jit3A_480 : f32 to vector<8x576xf32>
      %select_n3A_482 = arith.select %eq3A_479, %broadcast_in_dim3A_481, %select_n3A_404 : vector<8x576xi1>, vector<8x576xf32>
      %argmax3A_483 = tpu.reduce_index %select_n3A_413 {axis = 1 : i32, kind = #tpu.reduction_kind<arg_max>} : vector<8x576xf32> -> vector<8xi32>
      %broadcast_in_dim3A_484 = vector.shape_cast %argmax3A_483 : vector<8xi32> to vector<1x8xi32>
      %add3A_485 = arith.addi %broadcast_in_dim3A_484, %mul3A_11 : vector<1x8xi32>
      %broadcast_in_dim3A_486 = vector.shape_cast %argmax3A_483 : vector<8xi32> to vector<8x1xi32>
      %eq3A_487 = vector.broadcast %broadcast_in_dim3A_486 : vector<8x1xi32> to vector<8x576xi32>
      %eq3A_488 = arith.cmpi eq, %iota3A, %eq3A_487 : vector<8x576xi32>
      %jit3A_489 = arith.constant 0xFF800000 : f32
      %broadcast_in_dim3A_490 = vector.broadcast %jit3A_489 : f32 to vector<8x576xf32>
      %select_n3A_491 = arith.select %eq3A_488, %broadcast_in_dim3A_490, %select_n3A_413 : vector<8x576xi1>, vector<8x576xf32>
      %argmax3A_492 = tpu.reduce_index %select_n3A_422 {axis = 1 : i32, kind = #tpu.reduction_kind<arg_max>} : vector<8x576xf32> -> vector<8xi32>
      %broadcast_in_dim3A_493 = vector.shape_cast %argmax3A_492 : vector<8xi32> to vector<1x8xi32>
      %add3A_494 = arith.addi %broadcast_in_dim3A_493, %mul3A_18 : vector<1x8xi32>
      %broadcast_in_dim3A_495 = vector.shape_cast %argmax3A_492 : vector<8xi32> to vector<8x1xi32>
      %eq3A_496 = vector.broadcast %broadcast_in_dim3A_495 : vector<8x1xi32> to vector<8x576xi32>
      %eq3A_497 = arith.cmpi eq, %iota3A, %eq3A_496 : vector<8x576xi32>
      %jit3A_498 = arith.constant 0xFF800000 : f32
      %broadcast_in_dim3A_499 = vector.broadcast %jit3A_498 : f32 to vector<8x576xf32>
      %select_n3A_500 = arith.select %eq3A_497, %broadcast_in_dim3A_499, %select_n3A_422 : vector<8x576xi1>, vector<8x576xf32>
      %argmax3A_501 = tpu.reduce_index %select_n3A_431 {axis = 1 : i32, kind = #tpu.reduction_kind<arg_max>} : vector<8x576xf32> -> vector<8xi32>
      %broadcast_in_dim3A_502 = vector.shape_cast %argmax3A_501 : vector<8xi32> to vector<1x8xi32>
      %add3A_503 = arith.addi %broadcast_in_dim3A_502, %mul3A_25 : vector<1x8xi32>
      %broadcast_in_dim3A_504 = vector.shape_cast %argmax3A_501 : vector<8xi32> to vector<8x1xi32>
      %eq3A_505 = vector.broadcast %broadcast_in_dim3A_504 : vector<8x1xi32> to vector<8x576xi32>
      %eq3A_506 = arith.cmpi eq, %iota3A, %eq3A_505 : vector<8x576xi32>
      %jit3A_507 = arith.constant 0xFF800000 : f32
      %broadcast_in_dim3A_508 = vector.broadcast %jit3A_507 : f32 to vector<8x576xf32>
      %select_n3A_509 = arith.select %eq3A_506, %broadcast_in_dim3A_508, %select_n3A_431 : vector<8x576xi1>, vector<8x576xf32>
      %argmax3A_510 = tpu.reduce_index %select_n3A_440 {axis = 1 : i32, kind = #tpu.reduction_kind<arg_max>} : vector<8x576xf32> -> vector<8xi32>
      %broadcast_in_dim3A_511 = vector.shape_cast %argmax3A_510 : vector<8xi32> to vector<1x8xi32>
      %add3A_512 = arith.addi %broadcast_in_dim3A_511, %mul3A_32 : vector<1x8xi32>
      %broadcast_in_dim3A_513 = vector.shape_cast %argmax3A_510 : vector<8xi32> to vector<8x1xi32>
      %eq3A_514 = vector.broadcast %broadcast_in_dim3A_513 : vector<8x1xi32> to vector<8x576xi32>
      %eq3A_515 = arith.cmpi eq, %iota3A, %eq3A_514 : vector<8x576xi32>
      %jit3A_516 = arith.constant 0xFF800000 : f32
      %broadcast_in_dim3A_517 = vector.broadcast %jit3A_516 : f32 to vector<8x576xf32>
      %select_n3A_518 = arith.select %eq3A_515, %broadcast_in_dim3A_517, %select_n3A_440 : vector<8x576xi1>, vector<8x576xf32>
      %argmax3A_519 = tpu.reduce_index %select_n3A_449 {axis = 1 : i32, kind = #tpu.reduction_kind<arg_max>} : vector<8x576xf32> -> vector<8xi32>
      %broadcast_in_dim3A_520 = vector.shape_cast %argmax3A_519 : vector<8xi32> to vector<1x8xi32>
      %add3A_521 = arith.addi %broadcast_in_dim3A_520, %mul3A_39 : vector<1x8xi32>
      %broadcast_in_dim3A_522 = vector.shape_cast %argmax3A_519 : vector<8xi32> to vector<8x1xi32>
      %eq3A_523 = vector.broadcast %broadcast_in_dim3A_522 : vector<8x1xi32> to vector<8x576xi32>
      %eq3A_524 = arith.cmpi eq, %iota3A, %eq3A_523 : vector<8x576xi32>
      %jit3A_525 = arith.constant 0xFF800000 : f32
      %broadcast_in_dim3A_526 = vector.broadcast %jit3A_525 : f32 to vector<8x576xf32>
      %select_n3A_527 = arith.select %eq3A_524, %broadcast_in_dim3A_526, %select_n3A_449 : vector<8x576xi1>, vector<8x576xf32>
      %argmax3A_528 = tpu.reduce_index %select_n3A_458 {axis = 1 : i32, kind = #tpu.reduction_kind<arg_max>} : vector<8x576xf32> -> vector<8xi32>
      %broadcast_in_dim3A_529 = vector.shape_cast %argmax3A_528 : vector<8xi32> to vector<1x8xi32>
      %add3A_530 = arith.addi %broadcast_in_dim3A_529, %mul3A_46 : vector<1x8xi32>
      %broadcast_in_dim3A_531 = vector.shape_cast %argmax3A_528 : vector<8xi32> to vector<8x1xi32>
      %eq3A_532 = vector.broadcast %broadcast_in_dim3A_531 : vector<8x1xi32> to vector<8x576xi32>
      %eq3A_533 = arith.cmpi eq, %iota3A, %eq3A_532 : vector<8x576xi32>
      %jit3A_534 = arith.constant 0xFF800000 : f32
      %broadcast_in_dim3A_535 = vector.broadcast %jit3A_534 : f32 to vector<8x576xf32>
      %select_n3A_536 = arith.select %eq3A_533, %broadcast_in_dim3A_535, %select_n3A_458 : vector<8x576xi1>, vector<8x576xf32>
      %argmax3A_537 = tpu.reduce_index %select_n3A_467 {axis = 1 : i32, kind = #tpu.reduction_kind<arg_max>} : vector<8x576xf32> -> vector<8xi32>
      %broadcast_in_dim3A_538 = vector.shape_cast %argmax3A_537 : vector<8xi32> to vector<1x8xi32>
      %add3A_539 = arith.addi %broadcast_in_dim3A_538, %mul3A_53 : vector<1x8xi32>
      %broadcast_in_dim3A_540 = vector.shape_cast %argmax3A_537 : vector<8xi32> to vector<8x1xi32>
      %eq3A_541 = vector.broadcast %broadcast_in_dim3A_540 : vector<8x1xi32> to vector<8x576xi32>
      %eq3A_542 = arith.cmpi eq, %iota3A, %eq3A_541 : vector<8x576xi32>
      %jit3A_543 = arith.constant 0xFF800000 : f32
      %broadcast_in_dim3A_544 = vector.broadcast %jit3A_543 : f32 to vector<8x576xf32>
      %select_n3A_545 = arith.select %eq3A_542, %broadcast_in_dim3A_544, %select_n3A_467 : vector<8x576xi1>, vector<8x576xf32>
      %concatenate3A_546 = tpu.concatenate %add3A_476, %add3A_485, %add3A_494, %add3A_503, %add3A_512, %add3A_521, %add3A_530, %add3A_539 in 1 : vector<1x8xi32>, vector<1x8xi32>, vector<1x8xi32>, vector<1x8xi32>, vector<1x8xi32>, vector<1x8xi32>, vector<1x8xi32>, vector<1x8xi32> -> vector<1x64xi32>
      %swap3A_547 = arith.index_cast %scan3A_473 : i32 to index
      %swap3A_548 = arith.constant 0 : index
      %swap3A_549 = vector.load %arg1[%swap3A_547, %swap3A_548] : memref<32x64xi32, #tpu.memory_space<vmem>>, vector<1x64xi32>
      tpu.vector_store %arg1[%swap3A_547, %swap3A_548], %concatenate3A_546 {strides = array<i32>} : memref<32x64xi32, #tpu.memory_space<vmem>>, vector<1x64xi32>,
      %scan3A_550 = arith.constant 6 : i32
      %scan3A_551 = arith.addi %scan3A_82, %scan3A_550 : i32
      %argmax3A_552 = tpu.reduce_index %select_n3A_482 {axis = 1 : i32, kind = #tpu.reduction_kind<arg_max>} : vector<8x576xf32> -> vector<8xi32>
      %broadcast_in_dim3A_553 = vector.shape_cast %argmax3A_552 : vector<8xi32> to vector<1x8xi32>
      %add3A_554 = arith.addi %broadcast_in_dim3A_553, %mul3A_4 : vector<1x8xi32>
      %broadcast_in_dim3A_555 = vector.shape_cast %argmax3A_552 : vector<8xi32> to vector<8x1xi32>
      %eq3A_556 = vector.broadcast %broadcast_in_dim3A_555 : vector<8x1xi32> to vector<8x576xi32>
      %eq3A_557 = arith.cmpi eq, %iota3A, %eq3A_556 : vector<8x576xi32>
      %jit3A_558 = arith.constant 0xFF800000 : f32
      %broadcast_in_dim3A_559 = vector.broadcast %jit3A_558 : f32 to vector<8x576xf32>
      %select_n3A_560 = arith.select %eq3A_557, %broadcast_in_dim3A_559, %select_n3A_482 : vector<8x576xi1>, vector<8x576xf32>
      %argmax3A_561 = tpu.reduce_index %select_n3A_491 {axis = 1 : i32, kind = #tpu.reduction_kind<arg_max>} : vector<8x576xf32> -> vector<8xi32>
      %broadcast_in_dim3A_562 = vector.shape_cast %argmax3A_561 : vector<8xi32> to vector<1x8xi32>
      %add3A_563 = arith.addi %broadcast_in_dim3A_562, %mul3A_11 : vector<1x8xi32>
      %broadcast_in_dim3A_564 = vector.shape_cast %argmax3A_561 : vector<8xi32> to vector<8x1xi32>
      %eq3A_565 = vector.broadcast %broadcast_in_dim3A_564 : vector<8x1xi32> to vector<8x576xi32>
      %eq3A_566 = arith.cmpi eq, %iota3A, %eq3A_565 : vector<8x576xi32>
      %jit3A_567 = arith.constant 0xFF800000 : f32
      %broadcast_in_dim3A_568 = vector.broadcast %jit3A_567 : f32 to vector<8x576xf32>
      %select_n3A_569 = arith.select %eq3A_566, %broadcast_in_dim3A_568, %select_n3A_491 : vector<8x576xi1>, vector<8x576xf32>
      %argmax3A_570 = tpu.reduce_index %select_n3A_500 {axis = 1 : i32, kind = #tpu.reduction_kind<arg_max>} : vector<8x576xf32> -> vector<8xi32>
      %broadcast_in_dim3A_571 = vector.shape_cast %argmax3A_570 : vector<8xi32> to vector<1x8xi32>
      %add3A_572 = arith.addi %broadcast_in_dim3A_571, %mul3A_18 : vector<1x8xi32>
      %broadcast_in_dim3A_573 = vector.shape_cast %argmax3A_570 : vector<8xi32> to vector<8x1xi32>
      %eq3A_574 = vector.broadcast %broadcast_in_dim3A_573 : vector<8x1xi32> to vector<8x576xi32>
      %eq3A_575 = arith.cmpi eq, %iota3A, %eq3A_574 : vector<8x576xi32>
      %jit3A_576 = arith.constant 0xFF800000 : f32
      %broadcast_in_dim3A_577 = vector.broadcast %jit3A_576 : f32 to vector<8x576xf32>
      %select_n3A_578 = arith.select %eq3A_575, %broadcast_in_dim3A_577, %select_n3A_500 : vector<8x576xi1>, vector<8x576xf32>
      %argmax3A_579 = tpu.reduce_index %select_n3A_509 {axis = 1 : i32, kind = #tpu.reduction_kind<arg_max>} : vector<8x576xf32> -> vector<8xi32>
      %broadcast_in_dim3A_580 = vector.shape_cast %argmax3A_579 : vector<8xi32> to vector<1x8xi32>
      %add3A_581 = arith.addi %broadcast_in_dim3A_580, %mul3A_25 : vector<1x8xi32>
      %broadcast_in_dim3A_582 = vector.shape_cast %argmax3A_579 : vector<8xi32> to vector<8x1xi32>
      %eq3A_583 = vector.broadcast %broadcast_in_dim3A_582 : vector<8x1xi32> to vector<8x576xi32>
      %eq3A_584 = arith.cmpi eq, %iota3A, %eq3A_583 : vector<8x576xi32>
      %jit3A_585 = arith.constant 0xFF800000 : f32
      %broadcast_in_dim3A_586 = vector.broadcast %jit3A_585 : f32 to vector<8x576xf32>
      %select_n3A_587 = arith.select %eq3A_584, %broadcast_in_dim3A_586, %select_n3A_509 : vector<8x576xi1>, vector<8x576xf32>
      %argmax3A_588 = tpu.reduce_index %select_n3A_518 {axis = 1 : i32, kind = #tpu.reduction_kind<arg_max>} : vector<8x576xf32> -> vector<8xi32>
      %broadcast_in_dim3A_589 = vector.shape_cast %argmax3A_588 : vector<8xi32> to vector<1x8xi32>
      %add3A_590 = arith.addi %broadcast_in_dim3A_589, %mul3A_32 : vector<1x8xi32>
      %broadcast_in_dim3A_591 = vector.shape_cast %argmax3A_588 : vector<8xi32> to vector<8x1xi32>
      %eq3A_592 = vector.broadcast %broadcast_in_dim3A_591 : vector<8x1xi32> to vector<8x576xi32>
      %eq3A_593 = arith.cmpi eq, %iota3A, %eq3A_592 : vector<8x576xi32>
      %jit3A_594 = arith.constant 0xFF800000 : f32
      %broadcast_in_dim3A_595 = vector.broadcast %jit3A_594 : f32 to vector<8x576xf32>
      %select_n3A_596 = arith.select %eq3A_593, %broadcast_in_dim3A_595, %select_n3A_518 : vector<8x576xi1>, vector<8x576xf32>
      %argmax3A_597 = tpu.reduce_index %select_n3A_527 {axis = 1 : i32, kind = #tpu.reduction_kind<arg_max>} : vector<8x576xf32> -> vector<8xi32>
      %broadcast_in_dim3A_598 = vector.shape_cast %argmax3A_597 : vector<8xi32> to vector<1x8xi32>
      %add3A_599 = arith.addi %broadcast_in_dim3A_598, %mul3A_39 : vector<1x8xi32>
      %broadcast_in_dim3A_600 = vector.shape_cast %argmax3A_597 : vector<8xi32> to vector<8x1xi32>
      %eq3A_601 = vector.broadcast %broadcast_in_dim3A_600 : vector<8x1xi32> to vector<8x576xi32>
      %eq3A_602 = arith.cmpi eq, %iota3A, %eq3A_601 : vector<8x576xi32>
      %jit3A_603 = arith.constant 0xFF800000 : f32
      %broadcast_in_dim3A_604 = vector.broadcast %jit3A_603 : f32 to vector<8x576xf32>
      %select_n3A_605 = arith.select %eq3A_602, %broadcast_in_dim3A_604, %select_n3A_527 : vector<8x576xi1>, vector<8x576xf32>
      %argmax3A_606 = tpu.reduce_index %select_n3A_536 {axis = 1 : i32, kind = #tpu.reduction_kind<arg_max>} : vector<8x576xf32> -> vector<8xi32>
      %broadcast_in_dim3A_607 = vector.shape_cast %argmax3A_606 : vector<8xi32> to vector<1x8xi32>
      %add3A_608 = arith.addi %broadcast_in_dim3A_607, %mul3A_46 : vector<1x8xi32>
      %broadcast_in_dim3A_609 = vector.shape_cast %argmax3A_606 : vector<8xi32> to vector<8x1xi32>
      %eq3A_610 = vector.broadcast %broadcast_in_dim3A_609 : vector<8x1xi32> to vector<8x576xi32>
      %eq3A_611 = arith.cmpi eq, %iota3A, %eq3A_610 : vector<8x576xi32>
      %jit3A_612 = arith.constant 0xFF800000 : f32
      %broadcast_in_dim3A_613 = vector.broadcast %jit3A_612 : f32 to vector<8x576xf32>
      %select_n3A_614 = arith.select %eq3A_611, %broadcast_in_dim3A_613, %select_n3A_536 : vector<8x576xi1>, vector<8x576xf32>
      %argmax3A_615 = tpu.reduce_index %select_n3A_545 {axis = 1 : i32, kind = #tpu.reduction_kind<arg_max>} : vector<8x576xf32> -> vector<8xi32>
      %broadcast_in_dim3A_616 = vector.shape_cast %argmax3A_615 : vector<8xi32> to vector<1x8xi32>
      %add3A_617 = arith.addi %broadcast_in_dim3A_616, %mul3A_53 : vector<1x8xi32>
      %broadcast_in_dim3A_618 = vector.shape_cast %argmax3A_615 : vector<8xi32> to vector<8x1xi32>
      %eq3A_619 = vector.broadcast %broadcast_in_dim3A_618 : vector<8x1xi32> to vector<8x576xi32>
      %eq3A_620 = arith.cmpi eq, %iota3A, %eq3A_619 : vector<8x576xi32>
      %jit3A_621 = arith.constant 0xFF800000 : f32
      %broadcast_in_dim3A_622 = vector.broadcast %jit3A_621 : f32 to vector<8x576xf32>
      %select_n3A_623 = arith.select %eq3A_620, %broadcast_in_dim3A_622, %select_n3A_545 : vector<8x576xi1>, vector<8x576xf32>
      %concatenate3A_624 = tpu.concatenate %add3A_554, %add3A_563, %add3A_572, %add3A_581, %add3A_590, %add3A_599, %add3A_608, %add3A_617 in 1 : vector<1x8xi32>, vector<1x8xi32>, vector<1x8xi32>, vector<1x8xi32>, vector<1x8xi32>, vector<1x8xi32>, vector<1x8xi32>, vector<1x8xi32> -> vector<1x64xi32>
      %swap3A_625 = arith.index_cast %scan3A_551 : i32 to index
      %swap3A_626 = arith.constant 0 : index
      %swap3A_627 = vector.load %arg1[%swap3A_625, %swap3A_626] : memref<32x64xi32, #tpu.memory_space<vmem>>, vector<1x64xi32>
      tpu.vector_store %arg1[%swap3A_625, %swap3A_626], %concatenate3A_624 {strides = array<i32>} : memref<32x64xi32, #tpu.memory_space<vmem>>, vector<1x64xi32>,
      %scan3A_628 = arith.constant 7 : i32
      %scan3A_629 = arith.addi %scan3A_82, %scan3A_628 : i32
      %argmax3A_630 = tpu.reduce_index %select_n3A_560 {axis = 1 : i32, kind = #tpu.reduction_kind<arg_max>} : vector<8x576xf32> -> vector<8xi32>
      %broadcast_in_dim3A_631 = vector.shape_cast %argmax3A_630 : vector<8xi32> to vector<1x8xi32>
      %add3A_632 = arith.addi %broadcast_in_dim3A_631, %mul3A_4 : vector<1x8xi32>
      %broadcast_in_dim3A_633 = vector.shape_cast %argmax3A_630 : vector<8xi32> to vector<8x1xi32>
      %eq3A_634 = vector.broadcast %broadcast_in_dim3A_633 : vector<8x1xi32> to vector<8x576xi32>
      %eq3A_635 = arith.cmpi eq, %iota3A, %eq3A_634 : vector<8x576xi32>
      %jit3A_636 = arith.constant 0xFF800000 : f32
      %broadcast_in_dim3A_637 = vector.broadcast %jit3A_636 : f32 to vector<8x576xf32>
      %select_n3A_638 = arith.select %eq3A_635, %broadcast_in_dim3A_637, %select_n3A_560 : vector<8x576xi1>, vector<8x576xf32>
      %argmax3A_639 = tpu.reduce_index %select_n3A_569 {axis = 1 : i32, kind = #tpu.reduction_kind<arg_max>} : vector<8x576xf32> -> vector<8xi32>
      %broadcast_in_dim3A_640 = vector.shape_cast %argmax3A_639 : vector<8xi32> to vector<1x8xi32>
      %add3A_641 = arith.addi %broadcast_in_dim3A_640, %mul3A_11 : vector<1x8xi32>
      %broadcast_in_dim3A_642 = vector.shape_cast %argmax3A_639 : vector<8xi32> to vector<8x1xi32>
      %eq3A_643 = vector.broadcast %broadcast_in_dim3A_642 : vector<8x1xi32> to vector<8x576xi32>
      %eq3A_644 = arith.cmpi eq, %iota3A, %eq3A_643 : vector<8x576xi32>
      %jit3A_645 = arith.constant 0xFF800000 : f32
      %broadcast_in_dim3A_646 = vector.broadcast %jit3A_645 : f32 to vector<8x576xf32>
      %select_n3A_647 = arith.select %eq3A_644, %broadcast_in_dim3A_646, %select_n3A_569 : vector<8x576xi1>, vector<8x576xf32>
      %argmax3A_648 = tpu.reduce_index %select_n3A_578 {axis = 1 : i32, kind = #tpu.reduction_kind<arg_max>} : vector<8x576xf32> -> vector<8xi32>
      %broadcast_in_dim3A_649 = vector.shape_cast %argmax3A_648 : vector<8xi32> to vector<1x8xi32>
      %add3A_650 = arith.addi %broadcast_in_dim3A_649, %mul3A_18 : vector<1x8xi32>
      %broadcast_in_dim3A_651 = vector.shape_cast %argmax3A_648 : vector<8xi32> to vector<8x1xi32>
      %eq3A_652 = vector.broadcast %broadcast_in_dim3A_651 : vector<8x1xi32> to vector<8x576xi32>
      %eq3A_653 = arith.cmpi eq, %iota3A, %eq3A_652 : vector<8x576xi32>
      %jit3A_654 = arith.constant 0xFF800000 : f32
      %broadcast_in_dim3A_655 = vector.broadcast %jit3A_654 : f32 to vector<8x576xf32>
      %select_n3A_656 = arith.select %eq3A_653, %broadcast_in_dim3A_655, %select_n3A_578 : vector<8x576xi1>, vector<8x576xf32>
      %argmax3A_657 = tpu.reduce_index %select_n3A_587 {axis = 1 : i32, kind = #tpu.reduction_kind<arg_max>} : vector<8x576xf32> -> vector<8xi32>
      %broadcast_in_dim3A_658 = vector.shape_cast %argmax3A_657 : vector<8xi32> to vector<1x8xi32>
      %add3A_659 = arith.addi %broadcast_in_dim3A_658, %mul3A_25 : vector<1x8xi32>
      %broadcast_in_dim3A_660 = vector.shape_cast %argmax3A_657 : vector<8xi32> to vector<8x1xi32>
      %eq3A_661 = vector.broadcast %broadcast_in_dim3A_660 : vector<8x1xi32> to vector<8x576xi32>
      %eq3A_662 = arith.cmpi eq, %iota3A, %eq3A_661 : vector<8x576xi32>
      %jit3A_663 = arith.constant 0xFF800000 : f32
      %broadcast_in_dim3A_664 = vector.broadcast %jit3A_663 : f32 to vector<8x576xf32>
      %select_n3A_665 = arith.select %eq3A_662, %broadcast_in_dim3A_664, %select_n3A_587 : vector<8x576xi1>, vector<8x576xf32>
      %argmax3A_666 = tpu.reduce_index %select_n3A_596 {axis = 1 : i32, kind = #tpu.reduction_kind<arg_max>} : vector<8x576xf32> -> vector<8xi32>
      %broadcast_in_dim3A_667 = vector.shape_cast %argmax3A_666 : vector<8xi32> to vector<1x8xi32>
      %add3A_668 = arith.addi %broadcast_in_dim3A_667, %mul3A_32 : vector<1x8xi32>
      %broadcast_in_dim3A_669 = vector.shape_cast %argmax3A_666 : vector<8xi32> to vector<8x1xi32>
      %eq3A_670 = vector.broadcast %broadcast_in_dim3A_669 : vector<8x1xi32> to vector<8x576xi32>
      %eq3A_671 = arith.cmpi eq, %iota3A, %eq3A_670 : vector<8x576xi32>
      %jit3A_672 = arith.constant 0xFF800000 : f32
      %broadcast_in_dim3A_673 = vector.broadcast %jit3A_672 : f32 to vector<8x576xf32>
      %select_n3A_674 = arith.select %eq3A_671, %broadcast_in_dim3A_673, %select_n3A_596 : vector<8x576xi1>, vector<8x576xf32>
      %argmax3A_675 = tpu.reduce_index %select_n3A_605 {axis = 1 : i32, kind = #tpu.reduction_kind<arg_max>} : vector<8x576xf32> -> vector<8xi32>
      %broadcast_in_dim3A_676 = vector.shape_cast %argmax3A_675 : vector<8xi32> to vector<1x8xi32>
      %add3A_677 = arith.addi %broadcast_in_dim3A_676, %mul3A_39 : vector<1x8xi32>
      %broadcast_in_dim3A_678 = vector.shape_cast %argmax3A_675 : vector<8xi32> to vector<8x1xi32>
      %eq3A_679 = vector.broadcast %broadcast_in_dim3A_678 : vector<8x1xi32> to vector<8x576xi32>
      %eq3A_680 = arith.cmpi eq, %iota3A, %eq3A_679 : vector<8x576xi32>
      %jit3A_681 = arith.constant 0xFF800000 : f32
      %broadcast_in_dim3A_682 = vector.broadcast %jit3A_681 : f32 to vector<8x576xf32>
      %select_n3A_683 = arith.select %eq3A_680, %broadcast_in_dim3A_682, %select_n3A_605 : vector<8x576xi1>, vector<8x576xf32>
      %argmax3A_684 = tpu.reduce_index %select_n3A_614 {axis = 1 : i32, kind = #tpu.reduction_kind<arg_max>} : vector<8x576xf32> -> vector<8xi32>
      %broadcast_in_dim3A_685 = vector.shape_cast %argmax3A_684 : vector<8xi32> to vector<1x8xi32>
      %add3A_686 = arith.addi %broadcast_in_dim3A_685, %mul3A_46 : vector<1x8xi32>
      %broadcast_in_dim3A_687 = vector.shape_cast %argmax3A_684 : vector<8xi32> to vector<8x1xi32>
      %eq3A_688 = vector.broadcast %broadcast_in_dim3A_687 : vector<8x1xi32> to vector<8x576xi32>
      %eq3A_689 = arith.cmpi eq, %iota3A, %eq3A_688 : vector<8x576xi32>
      %jit3A_690 = arith.constant 0xFF800000 : f32
      %broadcast_in_dim3A_691 = vector.broadcast %jit3A_690 : f32 to vector<8x576xf32>
      %select_n3A_692 = arith.select %eq3A_689, %broadcast_in_dim3A_691, %select_n3A_614 : vector<8x576xi1>, vector<8x576xf32>
      %argmax3A_693 = tpu.reduce_index %select_n3A_623 {axis = 1 : i32, kind = #tpu.reduction_kind<arg_max>} : vector<8x576xf32> -> vector<8xi32>
      %broadcast_in_dim3A_694 = vector.shape_cast %argmax3A_693 : vector<8xi32> to vector<1x8xi32>
      %add3A_695 = arith.addi %broadcast_in_dim3A_694, %mul3A_53 : vector<1x8xi32>
      %broadcast_in_dim3A_696 = vector.shape_cast %argmax3A_693 : vector<8xi32> to vector<8x1xi32>
      %eq3A_697 = vector.broadcast %broadcast_in_dim3A_696 : vector<8x1xi32> to vector<8x576xi32>
      %eq3A_698 = arith.cmpi eq, %iota3A, %eq3A_697 : vector<8x576xi32>
      %jit3A_699 = arith.constant 0xFF800000 : f32
      %broadcast_in_dim3A_700 = vector.broadcast %jit3A_699 : f32 to vector<8x576xf32>
      %select_n3A_701 = arith.select %eq3A_698, %broadcast_in_dim3A_700, %select_n3A_623 : vector<8x576xi1>, vector<8x576xf32>
      %concatenate3A_702 = tpu.concatenate %add3A_632, %add3A_641, %add3A_650, %add3A_659, %add3A_668, %add3A_677, %add3A_686, %add3A_695 in 1 : vector<1x8xi32>, vector<1x8xi32>, vector<1x8xi32>, vector<1x8xi32>, vector<1x8xi32>, vector<1x8xi32>, vector<1x8xi32>, vector<1x8xi32> -> vector<1x64xi32>
      %swap3A_703 = arith.index_cast %scan3A_629 : i32 to index
      %swap3A_704 = arith.constant 0 : index
      %swap3A_705 = vector.load %arg1[%swap3A_703, %swap3A_704] : memref<32x64xi32, #tpu.memory_space<vmem>>, vector<1x64xi32>
      tpu.vector_store %arg1[%swap3A_703, %swap3A_704], %concatenate3A_702 {strides = array<i32>} : memref<32x64xi32, #tpu.memory_space<vmem>>, vector<1x64xi32>,
      scf.yield %select_n3A_638, %select_n3A_647, %select_n3A_656, %select_n3A_665, %select_n3A_674, %select_n3A_683, %select_n3A_692, %select_n3A_701 : vector<8x576xf32>, vector<8x576xf32>, vector<8x576xf32>, vector<8x576xf32>, vector<8x576xf32>, vector<8x576xf32>, vector<8x576xf32>, vector<8x576xf32>
    }
    %scan3A_81 = arith.constant 32 : i32
    return
  }
}

</mosaic_0001>

<sc_bundles>
// kernel: kernel.5.cloned.1.call-start
scs
__scs_entry_jumppad:
0x0: {  	(pc) =	sbr.rel $0x88, $3  }
0x1: {  	(tag) =	ssettag $0x0;
	lr =	simm.s32 $0x1  }
0x2: {  	[smem:$0x3F99] =	sst lr;
	_ =	strace $0xD0000000  }
0x3: {  	_ = 	snop  }
0x4: {  	_ = 	snop  }
0x5: {  	_ = 	snop  }
0x6: {  	_ = 	snop  }
0x7: {  	_ = 	snop  }
__scs_overlays_trampoline_lowered:
0x8: {  	[smem:$0x3FA8] =	sst s0  }
0x9: {  	[smem:$0x3FA9] =	sst s1  }
0xa: {  	[smem:$0x3FAA] =	sst s2  }
0xb: {  	[smem:$0x3FAB] =	sst s3  }
0xc: {  	[smem:$0x3FAC] =	sst s4  }
0xd: {  	[smem:$0x3FAD] =	sst s5  }
0xe: {  	[smem:$0x3FAE] =	sst s6  }
0xf: {  	[smem:$0x3FAF] =	sst s7  }
0x10: {  	[smem:$0x3FB0] =	sst s8  }
0x11: {  	[smem:$0x3FB1] =	sst s9;
	s0 =	simm.s32 @!p0 $0x0  }
0x12: {  	s1 =	sld [smem:$0x3F97];
	s0 =	simm.s32 @p0 $0x1  }
0x13: {  	[smem:$0x3FB2] =	sst s0;
	s0 =	simm.s32 @!p1 $0x0  }
0x14: {  	s2 =	sld [smem:$0x3F96];
	s0 =	simm.s32 @p1 $0x1  }
0x15: {  	[smem:$0x3FB3] =	sst s0;
	s0 =	simm.s32 @!p2 $0x0  }
0x16: {  	s3 =	sld [smem:$0x3FDB];
	s0 =	simm.s32 @p2 $0x1  }
0x17: {  	s4 =	simm.s32 $0x1BF5;
	[smem:$0x3FB5] =	sst s0  }
0x18: {  	s0 =	sld [smem:$0x3F98];
	_ =	swait.ge [sflag:s4], $0x0  }
0x19: {  	s7 =	sld [smem:$0x3F99]  }
0x1a: {  	s8 =	sadd.s32 $0xFFFFE003, lr  }
0x1b: {  	s9 =	sadd.s32 $0xFFFFFEF7, lr;
	s5 =	simm.s32 $0xFFFFFFFF;
	p2 =	slt.u32 s8, $0xFFFFF086  }
0x1c: {  	p1 =	slt.u32 s9, $0xF7A;
	s5 =	simm.s32 @!p2 $0x0  }
0x1d: {  	s5 =	simm.s32 @p1 $0x1;
	p0 =	seq.s32 s7, s2  }
0x1e: {  	s7 =	smul.u32 @!p0 $0xF7A, s2;
	p2 =	seq.s32 @!p0 s5, $0x0  }
0x1f: {  	s9 =	smul.u32 $0xF7A, s1;
	s8 =	simm.s32 @!p0 $0x1BF5;
	p2 =	por !p2, p0  }
0x20: {  	[sflag:s8] =	ssyncset.s32 @!p0 $0xFFFFF086;
	s6 =	sadd.s32 @!p0 s3, s7;
	s7 =	simm.s32 @!p0 $0x108  }
0x21: {  	s3 =	sadd.s32 s3, s9;
	s6 =	sadd.s32 @!p0 $0x88, s6;
	s7 =	simm.s32 @p2 $0x1082  }
0x22: {  	[simem:s7], [sflag:s8] =	dma.local @!p0 [hbm:s6], $0xF7A  }
0x23: {  	s9 =	sor.u32 $0xD0000000, s2;
	s6 =	simm.s32 $0x108;
	_ =	swait.ge @!p0 [sflag:s8], $0x0  }
0x24: {  	s3 =	sadd.s32 $0x88, s3;
	s6 =	simm.s32 @!p1 $0x1082;
	[sflag:s4] =	ssyncset.s32 $0xFFFFF086  }
0x25: {  	[simem:s6], [sflag:s4] =	dma.local [hbm:s3], $0xF7A  }
0x26: {  	[smem:$0x3F99] =	sst s1;
	(tag) =	ssettag s2;
	_ =	strace s9  }
0x27: {  	s1 =	sld [smem:$0x3FA9]  }
0x28: {  	s2 =	sld [smem:$0x3FAA]  }
0x29: {  	s4 =	sld [smem:$0x3FAC]  }
0x2a: {  	p0 =	seq.s32 s5, $0x0;
	s5 =	sld [smem:$0x3FAD]  }
0x2b: {  	s6 =	sld [smem:$0x3FAE]  }
0x2c: {  	s7 =	sld [smem:$0x3FAF]  }
0x2d: {  	s3 =	simm.s32 $0x108;
	s8 =	sld [smem:$0x3FB0]  }
0x2e: {  	s3 =	simm.s32 @!p0 $0x1082;
	s9 =	sld [smem:$0x3FB1]  }
0x2f: {  	lr =	sadd.s32 s0, s3;
	s0 =	sld [smem:$0x3FA8]  }
0x30: {  	s3 =	sld [smem:$0x3FAB]  }
0x31: {  	[smem:$0x3FB4] =	sst s10  }
0x32: {  	s10 =	sld [smem:$0x3FB2];
	_ =	sdelay $0x3  }
0x33: {  	p0 =	seq.s32 s10, $0x1;
	s10 =	sld [smem:$0x3FB4];
	_ =	sdelay $0x3  }
0x34: {  	[smem:$0x3FB4] =	sst s10  }
0x35: {  	s10 =	sld [smem:$0x3FB3];
	_ =	sdelay $0x3  }
0x36: {  	p1 =	seq.s32 s10, $0x1;
	s10 =	sld [smem:$0x3FB4];
	_ =	sdelay $0x3  }
0x37: {  	[smem:$0x3FB4] =	sst s10  }
0x38: {  	s10 =	sld [smem:$0x3FB5]  }
0x39: {  	_ = 	snop;
	(pc) =	sbr.ind lr, $3  }
0x3a: {  	_ = 	snop  }
0x3b: {  	_ = 	snop  }
0x3c: {  	p2 =	seq.s32 s10, $0x1;
	s10 =	sld [smem:$0x3FB4]  }
0x3d: {  	_ =	shalt  }
0x3e: {  	_ =	shalt  }
0x3f: {  	_ =	shalt  }
0x40: {  	_ =	shalt  }
0x41: {  	_ =	shalt  }
0x42: {  	_ =	shalt  }
0x43: {  	_ =	shalt  }
0x44: {  	_ =	shalt  }
0x45: {  	_ =	shalt  }
0x46: {  	_ =	shalt  }
0x47: {  	_ =	shalt  }
0x48: {  	_ =	shalt  }
0x49: {  	_ =	shalt  }
0x4a: {  	_ =	shalt  }
0x4b: {  	_ =	shalt  }
0x4c: {  	_ =	shalt  }
0x4d: {  	_ =	shalt  }
0x4e: {  	_ =	shalt  }
0x4f: {  	_ =	shalt  }
0x50: {  	_ =	shalt  }
0x51: {  	_ =	shalt  }
0x52: {  	_ =	shalt  }
0x53: {  	_ =	shalt  }
0x54: {  	_ =	shalt  }
0x55: {  	_ =	shalt  }
0x56: {  	_ =	shalt  }
0x57: {  	_ =	shalt  }
0x58: {  	_ =	shalt  }
0x59: {  	_ =	shalt  }
0x5a: {  	_ =	shalt  }
0x5b: {  	_ =	shalt  }
0x5c: {  	_ =	shalt  }
0x5d: {  	_ =	shalt  }
0x5e: {  	_ =	shalt  }
0x5f: {  	_ =	shalt  }
0x60: {  	_ =	shalt  }
0x61: {  	_ =	shalt  }
0x62: {  	_ =	shalt  }
0x63: {  	_ =	shalt  }
0x64: {  	_ =	shalt  }
0x65: {  	_ =	shalt  }
0x66: {  	_ =	shalt  }
0x67: {  	_ =	shalt  }
0x68: {  	_ =	shalt  }
0x69: {  	_ =	shalt  }
0x6a: {  	_ =	shalt  }
0x6b: {  	_ =	shalt  }
0x6c: {  	_ =	shalt  }
0x6d: {  	_ =	shalt  }
0x6e: {  	_ =	shalt  }
0x6f: {  	_ =	shalt  }
0x70: {  	_ =	shalt  }
0x71: {  	_ =	shalt  }
0x72: {  	_ =	shalt  }
0x73: {  	_ =	shalt  }
0x74: {  	_ =	shalt  }
0x75: {  	_ =	shalt  }
0x76: {  	_ =	shalt  }
0x77: {  	_ =	shalt  }
0x78: {  	_ =	shalt  }
0x79: {  	_ =	shalt  }
0x7a: {  	_ =	shalt  }
0x7b: {  	_ =	shalt  }
0x7c: {  	_ =	shalt  }
0x7d: {  	_ =	shalt  }
0x7e: {  	_ =	shalt  }
0x7f: {  	_ =	shalt  }
0x80: {  	_ =	shalt  }
0x81: {  	_ =	shalt  }
0x82: {  	_ =	shalt  }
0x83: {  	_ =	shalt  }
0x84: {  	_ =	shalt  }
0x85: {  	_ =	shalt  }
0x86: {  	_ =	shalt  }
0x87: {  	_ =	shalt  }
.Lfunc_end0:
.L_simem_size_0:
called_computation_lowered:
.L_overlay_start_0:
0x88: {  	s2 =	sld [smem:$0x3FD9]  }
0x89: {  	s3 =	sld [smem:$0x3FFE];
	_ =	sdelay $0x1  }
0x8a: {  	s1 =	srdreg.scid  }
0x8b: {  	s0 =	sand.u32 $0x1, s1  }
0x8c: {  	s17 =	sshll.u32 s0, $0xA;
	s2 =	sadd.s32 s3, s2  }
0x8d: {  	s2 =	sadd.s32 s2, s17  }
0x8e: {  	[smem:$0x3FC0] =	sst s2  }
0x8f: {  	_ = 	snop  }
0x90: {  	s2 =	sld [smem:$0x3FC9]  }
0x91: {  	s18 =	sld [smem:$0x3FD0];
	(tm) =	ssettm $0x1  }
0x92: {  	s4 =	sld [smem:$0x3FFB];
	_ =	sdelay $0x3  }
0x93: {  	_ =	strace s4  }
0x94: {  	s4 =	sld [smem:$0x3FFC];
	_ =	sdelay $0x3  }
0x95: {  	_ =	strace s4  }
0x96: {  	s4 =	sld [smem:$0x3FFD];
	_ =	sdelay $0x3  }
0x97: {  	_ =	strace s4  }
0x98: {  	_ =	strace $0x8FFFFFFF  }
0x99: {  	s19 =	sld [smem:$0x3FDB];
	_ =	sdelay $0x1  }
0x9a: {  	s5 =	simm.s32 $_scs_section_size  }
0x9b: {  	s6 =	simm.s32 $_size__tile_overlayer_lowered;
	s7 =	simm.s32 $_tile_overlayer_lowered  }
0x9c: {  	s22 =	simm.s32 $0x1BFF;
	s21 =	sshll.u32 s7, $0x1;
	s4 =	sadd.s32 s5, s19  }
0x9d: {  	s8 =	simm.s32 $0x0;
	s20 =	sshll.u32 s6, $0x1;
	s6 =	sadd.s32 s21, s4  }
0x9e: {  	[timem:s8], [sflag:s22] =	dma.local [hbm:s6], s20  }
0x9f: {  	_ =	swait.ge [sflag:s22], s20  }
0xa0: {  	s5 =	ssub.s32 $0x0, s20;
	[sflag:s22] =	ssyncset.done $0x0  }
0xa1: {  	[sflag:s22] =	ssyncadd.s32 s5;
	_ =	sdelay $0x1  }
0xa2: {  	s23 =	simm.s32 $0x1B8B  }
0xa3: {  	_ =	swait.ge [sflag:s23], $0x1  }
0xa4: {  	[sflag:s23] =	ssyncset.done $0x0  }
0xa5: {  	s25 =	simm.s32 $0x1B8E;
	s24 =	sld [smem:$0x3FFE];
	[sflag:s23] =	ssyncadd.s32 $0xFFFFFFFF  }
0xa6: {  	s26 =	simm.s32 $execute0_lowered;
	[smem:$0x3FD2] =	sst s25  }
0xa7: {  	s6 =	sshll.u32 s26, $0x1;
	_ =	strace $0x80000046;
	[dreg:$0x1] =	wrdreg $0xFFFFFFFF  }
0xa8: {  	s28 =	simm.s32 $_size_execute0_lowered;
	s4 =	sadd.s32 s4, s6;
	[dreg:$0x0] =	wrdreg $0x0  }
0xa9: {  	s6 =	sshll.u32 s28, $0x1;
	[dreg:$0x2] =	wrdreg s4  }
0xaa: {  	[dreg:$0x3] =	wrdreg s6  }
0xab: {  	[dreg:$0x4] =	wrdreg $0xC0  }
0xac: {  	_ =	task [dreg:s8], $0x5FFFF  }
0xad: {  	[dreg:$0x1] =	wrdreg $0xFFFFFFFF  }
0xae: {  	[dreg:$0x0] =	wrdreg $0x60  }
0xaf: {  	[dreg:$0x2] =	wrdreg s2  }
0xb0: {  	[dreg:$0x3] =	wrdreg s18  }
0xb1: {  	[dreg:$0x4] =	wrdreg s24  }
0xb2: {  	[dreg:$0x5] =	wrdreg $0x9  }
0xb3: {  	_ =	task.clear_ibuf [dreg:s8], $0x6FFFF;
	_ =	strace $0x90000046  }
0xb4: {  	s29 =	simm.s32 $0x9;
	_ =	strace $0x80000048  }
0xb5: {  	_ =	swait.ge [sflag:s29], $0x1  }
0xb6: {  	[sflag:s29] =	ssyncadd.s32 $0xFFFFFFFF  }
0xb7: {  	_ =	strace $0x90000048  }
0xb8: {  	_ =	sfence  }
0xb9: {  	s30 =	sld [smem:$0x0];
	_ =	sdelay $0x2  }
0xba: {  	s31 =	sshll.u32 s1, $0xD;
	s1 =	sshrl.u32 s1, $0x2  }
0xbb: {  	s3 =	sand.u32 $0x4000, s31;
	s1 =	sadd.s32 s1, s30  }
0xbc: {  	s0 =	sor.u32 s3, s0;
	s1 =	sshll.u32 s1, $0x11  }
0xbd: {  	s0 =	sor.u32 s1, s0  }
0xbe: {  	s0 =	sadd.s32 $0x8F2B, s0  }
0xbf: {  	[sflag:s0] =	ssyncadd.remote.s32 $0x1  }
0xc0: {  	_ =	sfence.sel $0xFFFF  }
0xc1: {  	[dreg:$0x0] =	wrdreg $0xFFFFFFFF;
	(pc) =	sbr.abs _section_cstart, $3  }
0xc2: {  	[dreg:$0x1] =	wrdreg $0xFFFFFFFF  }
0xc3: {  	_ =	task.clear_ibuf [dreg:s8], $0x2FFFF;
	_ =	strace $0x9FFFFFFF  }
0xc4: {  	(tm) =	ssettm $0x7FFFFFFF  }
0xc5: {  	_ =	shalt  }
tec
execute0_lowered:
.L_overlay_start_1:
0x0: {  	(tag) =	ssettag $0x1  }
0x1: {  	s1 =	rddreg [dreg:$0x0]  }
0x2: {  	s2 =	srdreg.scid;
	s4 =	rddreg [dreg:$0x1]  }
0x3: {  	s0 =	stileid.u32;
	s5 =	rddreg [dreg:$0x2];
	s3 =	simm.s32 $0x0  }
0x4: {  	s26 =	simm.s32 $0x880;
	s9 =	simm.s32 $0x1080;
	s10 =	simm.s32 $0x1880  }
0x5: {  	s11 =	simm.s32 $0x2080;
	s12 =	simm.s32 $0x2880;
	s13 =	simm.s32 $0x3080  }
0x6: {  	s14 =	simm.s32 $0x3880;
	s15 =	simm.s32 $0x4080;
	s16 =	simm.s32 $0x4880  }
0x7: {  	s17 =	simm.s32 $0x5080;
	s18 =	simm.s32 $0x5880;
	s19 =	simm.s32 $0x6080  }
0x8: {  	s20 =	simm.s32 $0x6880;
	s21 =	simm.s32 $0x7080;
	s22 =	simm.s32 $0x7880  }
0x9: {  	s23 =	simm.s32 $0x8080;
	s24 =	simm.s32 $0x8880;
	s28 =	simm.s32 $0xA080  }
0xa: {  	s29 =	simm.s32 $0xA880;
	s30 =	simm.s32 $0xB080;
	s31 =	simm.s32 $0xB880  }
0xb: {  	s2 =	sand.u32 $0x1, s2;
	s6 =	sshll.u32 s0, $0x4;
	[smem:$0x7FF] =	sst s3  }
0xc: {  	s7 =	sshll.u32 s2, $0x3;
	s2 =	ssub.s32 $0x2, s2;
	_ =	strace $0x80000047  }
0xd: {  	[dreg:$0x6] =	wrdreg s26;
	s26 =	simm.s32 $0x9880;
	s6 =	sor.u32 s7, s6  }
0xe: {  	s8 =	sshrl.u32 s2, $0x1;
	s7 =	smul.u32 $0x300, s6;
	s4 =	sadd.s32 s4, s6  }
0xf: {  	s2 =	ssub.s32 s2, s8;
	s8 =	simm.s32 $0x80;
	[dreg:$0x4] =	wrdreg s4  }
0x10: {  	v2 =	vlaneseq.u32;
	s4 =	sadd.s32 $0x100, s1;
	s6 =	smax.u32 s2, $0x1;
	s5 =	sadd.s32 s7, s5  }
0x11: {  	vm0 =	vmmov $0xffff;
	v1 =	vshrl.u32 v2, $0x3;
	s2 =	simm.s32 $0x1;
	s7 =	simm.s32 $0x2;
	s25 =	sadd.s32 $0x1200, s5  }
0x12: {  	v0 =	vand.u32 $0x7, v2;
	v2 =	vor.u32 $0x8, v2;
	v1 =	vmul.u32 $0x8, v1;
	s5 =	sadd.s32 $0x200, s1;
	[dreg:$0x5] =	wrdreg s25;
	s25 =	simm.s32 $0x9080  }
.LBB2_1:
0x13: {  	s0 =	rddreg [dreg:$0x4]  }
0x14: {  	[tilespmem:s3], [sflag:$0x2] =	stream.linear.gather [hbm4b:s0+s3], $0x40, $0x38;
	[tilespmem:$0xC080] =	vst v63  }
0x15: {  	_ =	swait.ge [sflag:s7], $0x40  }
0x16: {  	[sflag:s7] =	ssyncset.done $0x0  }
0x17: {  	[sflag:s7] =	ssyncadd.s32 $0xFFFFFFC0  }
0x18: {  	v3 =	vld [tilespmem:$0x0];
	_ =	sdelay $0x4  }
0x19: {  	v4 =	vshrl.u32 v3, $0x3  }
0x1a: {  	v4 =	vmul.u32 $0x30, v4  }
0x1b: {  	v3 =	vand.u32 $0x7, v3  }
0x1c: {  	v3 =	vor.u32 v3, v4  }
0x1d: {  	v4 =	vperm.xlane v3, v0;
	_ =	sdelay $0x1  }
0x1e: {  	v4 =	vadd.s32 v1, v4;
	_ =	sdelay $0x3  }
0x1f: {  	v3 =	vperm.xlane v3, v2  }
0x20: {  	[tilespmem:s8], [sflag:$0x1] =	stream.indirect_vreg.gather [hbm4b:s1+s3], $0x80, v4, vm0, $0xb8;
	[tilespmem:$0xC080] =	vst v63  }
0x21: {  	s0 =	rddreg [dreg:$0x6];
	v3 =	vadd.s32 v1, v3  }
0x22: {  	[tilespmem:s0], [sflag:$0x1] =	stream.indirect_vreg.gather [hbm4b:s4+s3], $0x80, v4, vm0, $0xb8;
	[tilespmem:$0xC080] =	vst v63  }
0x23: {  	_ = 	snop  }
0x24: {  	[tilespmem:s9], [sflag:$0x1] =	stream.indirect_vreg.gather [hbm4b:s5+s3], $0x80, v4, vm0, $0xb8;
	[tilespmem:$0xC080] =	vst v63  }
0x25: {  	_ = 	snop  }
0x26: {  	[tilespmem:s10], [sflag:$0x1] =	stream.indirect_vreg.gather [hbm4b:s1+s3], $0x80, v3, vm0, $0xb8;
	[tilespmem:$0xC080] =	vst v63  }
0x27: {  	_ = 	snop  }
0x28: {  	[tilespmem:s11], [sflag:$0x1] =	stream.indirect_vreg.gather [hbm4b:s4+s3], $0x80, v3, vm0, $0xb8;
	[tilespmem:$0xC080] =	vst v63  }
0x29: {  	_ = 	snop  }
0x2a: {  	[tilespmem:s12], [sflag:$0x1] =	stream.indirect_vreg.gather [hbm4b:s5+s3], $0x80, v3, vm0, $0xb8;
	[tilespmem:$0xC080] =	vst v63  }
0x2b: {  	v3 =	vld [tilespmem:$0x10];
	_ =	sdelay $0x4  }
0x2c: {  	v61 =	vshrl.u32 v3, $0x3  }
0x2d: {  	v4 =	vmul.u32 $0x30, v61  }
0x2e: {  	v3 =	vand.u32 $0x7, v3  }
0x2f: {  	v3 =	vor.u32 v3, v4  }
0x30: {  	v4 =	vperm.xlane v3, v0;
	_ =	sdelay $0x1  }
0x31: {  	v4 =	vadd.s32 v1, v4;
	_ =	sdelay $0x3  }
0x32: {  	v3 =	vperm.xlane v3, v2  }
0x33: {  	[tilespmem:s13], [sflag:$0x1] =	stream.indirect_vreg.gather [hbm4b:s1+s3], $0x80, v4, vm0, $0xb8;
	[tilespmem:$0xC080] =	vst v63  }
0x34: {  	v3 =	vadd.s32 v1, v3  }
0x35: {  	[tilespmem:s14], [sflag:$0x1] =	stream.indirect_vreg.gather [hbm4b:s4+s3], $0x80, v4, vm0, $0xb8;
	[tilespmem:$0xC080] =	vst v63  }
0x36: {  	_ = 	snop  }
0x37: {  	[tilespmem:s15], [sflag:$0x1] =	stream.indirect_vreg.gather [hbm4b:s5+s3], $0x80, v4, vm0, $0xb8;
	[tilespmem:$0xC080] =	vst v63  }
0x38: {  	_ = 	snop  }
0x39: {  	[tilespmem:s16], [sflag:$0x1] =	stream.indirect_vreg.gather [hbm4b:s1+s3], $0x80, v3, vm0, $0xb8;
	[tilespmem:$0xC080] =	vst v63  }
0x3a: {  	_ = 	snop  }
0x3b: {  	[tilespmem:s17], [sflag:$0x1] =	stream.indirect_vreg.gather [hbm4b:s4+s3], $0x80, v3, vm0, $0xb8;
	[tilespmem:$0xC080] =	vst v63  }
0x3c: {  	_ = 	snop  }
0x3d: {  	[tilespmem:s18], [sflag:$0x1] =	stream.indirect_vreg.gather [hbm4b:s5+s3], $0x80, v3, vm0, $0xb8;
	[tilespmem:$0xC080] =	vst v63  }
0x3e: {  	v3 =	vld [tilespmem:$0x20];
	_ =	sdelay $0x4  }
0x3f: {  	v62 =	vshrl.u32 v3, $0x3  }
0x40: {  	v4 =	vmul.u32 $0x30, v62  }
0x41: {  	v3 =	vand.u32 $0x7, v3  }
0x42: {  	v3 =	vor.u32 v3, v4  }
0x43: {  	v4 =	vperm.xlane v3, v0;
	_ =	sdelay $0x1  }
0x44: {  	v4 =	vadd.s32 v1, v4;
	_ =	sdelay $0x3  }
0x45: {  	v3 =	vperm.xlane v3, v2  }
0x46: {  	[tilespmem:s19], [sflag:$0x1] =	stream.indirect_vreg.gather [hbm4b:s1+s3], $0x80, v4, vm0, $0xb8;
	[tilespmem:$0xC080] =	vst v63  }
0x47: {  	v3 =	vadd.s32 v1, v3  }
0x48: {  	[tilespmem:s20], [sflag:$0x1] =	stream.indirect_vreg.gather [hbm4b:s4+s3], $0x80, v4, vm0, $0xb8;
	[tilespmem:$0xC080] =	vst v63  }
0x49: {  	_ = 	snop  }
0x4a: {  	[tilespmem:s21], [sflag:$0x1] =	stream.indirect_vreg.gather [hbm4b:s5+s3], $0x80, v4, vm0, $0xb8;
	[tilespmem:$0xC080] =	vst v63  }
0x4b: {  	_ = 	snop  }
0x4c: {  	[tilespmem:s22], [sflag:$0x1] =	stream.indirect_vreg.gather [hbm4b:s1+s3], $0x80, v3, vm0, $0xb8;
	[tilespmem:$0xC080] =	vst v63  }
0x4d: {  	_ = 	snop  }
0x4e: {  	[tilespmem:s23], [sflag:$0x1] =	stream.indirect_vreg.gather [hbm4b:s4+s3], $0x80, v3, vm0, $0xb8;
	[tilespmem:$0xC080] =	vst v63  }
0x4f: {  	_ = 	snop  }
0x50: {  	[tilespmem:s24], [sflag:$0x1] =	stream.indirect_vreg.gather [hbm4b:s5+s3], $0x80, v3, vm0, $0xb8;
	[tilespmem:$0xC080] =	vst v63  }
0x51: {  	v3 =	vld [tilespmem:$0x30];
	_ =	sdelay $0x4  }
0x52: {  	v63 =	vshrl.u32 v3, $0x3  }
0x53: {  	v4 =	vmul.u32 $0x30, v63  }
0x54: {  	v3 =	vand.u32 $0x7, v3  }
0x55: {  	v3 =	vor.u32 v3, v4  }
0x56: {  	v4 =	vperm.xlane v3, v0;
	_ =	sdelay $0x1  }
0x57: {  	v4 =	vadd.s32 v1, v4;
	_ =	sdelay $0x3  }
0x58: {  	v3 =	vperm.xlane v3, v2  }
0x59: {  	[tilespmem:s25], [sflag:$0x1] =	stream.indirect_vreg.gather [hbm4b:s1+s3], $0x80, v4, vm0, $0xb8;
	[tilespmem:$0xC080] =	vst v63  }
0x5a: {  	v3 =	vadd.s32 v1, v3  }
0x5b: {  	[tilespmem:s26], [sflag:$0x1] =	stream.indirect_vreg.gather [hbm4b:s4+s3], $0x80, v4, vm0, $0xb8;
	[tilespmem:$0xC080] =	vst v63  }
0x5c: {  	_ = 	snop  }
0x5d: {  	[tilespmem:s28], [sflag:$0x1] =	stream.indirect_vreg.gather [hbm4b:s5+s3], $0x80, v4, vm0, $0xb8;
	[tilespmem:$0xC080] =	vst v63  }
0x5e: {  	_ = 	snop  }
0x5f: {  	[tilespmem:s29], [sflag:$0x1] =	stream.indirect_vreg.gather [hbm4b:s1+s3], $0x80, v3, vm0, $0xb8;
	[tilespmem:$0xC080] =	vst v63  }
0x60: {  	_ = 	snop  }
0x61: {  	[tilespmem:s30], [sflag:$0x1] =	stream.indirect_vreg.gather [hbm4b:s4+s3], $0x80, v3, vm0, $0xb8;
	[tilespmem:$0xC080] =	vst v63  }
0x62: {  	_ = 	snop  }
0x63: {  	[tilespmem:s31], [sflag:$0x1] =	stream.indirect_vreg.gather [hbm4b:s5+s3], $0x80, v3, vm0, $0xb8;
	[tilespmem:$0xC080] =	vst v63  }
0x64: {  	_ =	swait.ge [sflag:s2], $0xC000  }
0x65: {  	p0 =	sne.s32 s6, $0x1;
	[sflag:s2] =	ssyncset.done $0x0  }
.Ltmp0:
0x66: {  	s0 =	rddreg [dreg:$0x5];
	[sflag:s2] =	ssyncadd.s32 $0xFFFF4000;
	(pc) =	sbr.rel @p0 .LBB2_1-.Ltmp0, $4  }
0x67: {  	[hbm4b:s0+s3] =	stream.linear.scatter [tilespmem:s8], [sflag:$0x2], $0xC000, $0x38;
	[tilespmem:$0xC080] =	vst v63  }
0x68: {  	_ =	swait.ge [sflag:s7], $0xC000  }
0x69: {  	[sflag:s7] =	ssyncset.done $0x0  }
0x6a: {  	s6 =	sadd.s32 $0xFFFFFFFF, s6;
	[sflag:s7] =	ssyncadd.s32 $0xFFFF4000  }
0x6b: {  	_ =	sfence.sel $0x180000  }
0x6c: {  	[bflag:$0x0] =	sbarrier.arrive $0xFFFF  }
0x6d: {  	_ =	strace $0x90000047  }
0x6e: {  	s0 =	stileid.u32;
	[bflag:$0x2] =	sbarrier.arrive $0xFFFF  }
0x6f: {  	p0 =	sne.s32 s0, $0x0;
	s0 =	rddreg [dreg:$0x3]  }
0x70: {  	s0 =	sadd.s32 @!p0 $0x100000, s0  }
0x71: {  	[sflag:s0] =	ssyncadd.tile.s32 @!p0 $0x1;
	_ =	shalt  }
.Lfunc_end2:
_tile_overlayer_lowered:
.L_overlay_start_2:
0x72: {  	(tag) =	ssettag $0x2  }
0x73: {  	s0 =	rddreg [dreg:$0x0];
	s2 =	stileid.u32  }
0x74: {  	s1 =	rddreg [dreg:$0x1];
	p0 =	sne.s32 s2, $0x0  }
0x75: {  	s3 =	rddreg [dreg:$0x2];
	[bflag:$0x3] =	sbarrier.arrive $0xFFFF;
	s2 =	simm.s32 @!p0 $0x1C02  }
0x76: {  	[timem:s3], [sflag:s2] =	dma.local @!p0 [hbm:s0], s1  }
0x77: {  	s0 =	simm.s32 @!p0 $0x2  }
0x78: {  	_ =	swait.ge @!p0 [sflag:s0], s1  }
0x79: {  	s1 =	ssub.s32 @!p0 $0x0, s1;
	[sflag:s0] =	ssyncset.done @!p0 $0x0  }
0x7a: {  	[sflag:s0] =	ssyncadd.s32 @!p0 s1  }
0x7b: {  	[bflag:$0x3] =	sbarrier.arrive $0xFFFF  }
0x7c: {  	_ =	shalt  }

</sc_bundles>
